<compile_context>
chip_gen: v7x
topology: tpu7x:2x2x1
jax: 0.10.2.dev20260603
libtpu: 0.0.44.dev20260713+nightly
codegen_flags: <defaults>
</compile_context>

<pallas_src>
import jax
import jax.numpy as jnp
from jax import lax
from jax.experimental import pallas as pl
from jax.experimental.pallas import tpu as pltpu
from jax.experimental.pallas import tpu_sc as plsc

_STRIDE = 2
_B, _H, _W, _C = 8, 112, 112, 96
_N = _H * _W * _C
_M = _N * _STRIDE * _STRIDE
_NC, _NS, _L = 2, 16, 16
_NQ = 3
_CH = _M // _NQ
_TRASH = 4096
_P = _N // _NS
_NSTEP = 24
_K = _P // _NSTEP
_STRIPE = _CH // _NS
_NZ = 32
_ZB = _STRIPE // _NZ
_BPC = _B // _NC


def _unpool_body(x_hbm, m_hbm, out_hbm,
                 mask0, vals0, idx0, mask1, vals1, idx1, zero_v, acc_sh,
                 sem_in0, sem_in1, sem_sc0, sem_sc1):
    cid = lax.axis_index("c")
    sid = lax.axis_index("s")

    bufs = ((mask0, vals0, idx0, sem_in0, sem_sc0),
            (mask1, vals1, idx1, sem_in1, sem_sc1))

    def start_in(s, off):
        mk, vl, _, si, _ = bufs[s]
        pltpu.async_copy(m_hbm.at[pl.ds(off, _K)], mk, si)
        pltpu.async_copy(x_hbm.at[pl.ds(off, _K)], vl, si)

    def wait_in(s):
        mk, vl, _, si, _ = bufs[s]
        pltpu.make_async_copy(m_hbm.at[pl.ds(0, _K)], mk, si).wait()
        pltpu.make_async_copy(x_hbm.at[pl.ds(0, _K)], vl, si).wait()

    def start_sc(s):
        _, vl, ix, _, ss = bufs[s]
        pltpu.async_copy(vl, acc_sh.at[ix], ss, add=True)

    def wait_sc(s):
        _, vl, ix, _, ss = bufs[s]
        pltpu.make_async_copy(vl, acc_sh.at[ix], ss).wait()

    z16 = jnp.zeros((_L,), jnp.float32)

    @pl.loop(0, _ZB // _L)
    def _(i):
        zero_v[pl.ds(i * _L, _L)] = z16

    ch_vec = jnp.full((_L,), _CH, jnp.uint32)
    tmask_vec = jnp.full((_L,), _TRASH - 1, jnp.uint32)

    def compute_idx(s, base_vec):
        mk, _, ix, _, _ = bufs[s]

        @plsc.parallel_loop(0, _K // _L, unroll=8)
        def _(i):
            m16 = mk[pl.ds(i * _L, _L)]
            mu = plsc.bitcast(m16, jnp.uint32)
            rel = plsc.bitcast(m16 - base_vec, jnp.uint32)
            trash = ch_vec + (mu & tmask_vec)
            idx = jnp.minimum(rel, trash)
            ix[pl.ds(i * _L, _L)] = plsc.bitcast(idx, jnp.int32)

    @pl.loop(0, _BPC)
    def _(b_loc):
        b = cid * _BPC + b_loc
        pair0 = b * _N + sid * _P

        @pl.loop(0, _NQ)
        def _(q):
            base = q * _CH

            start_in(0, pair0)

            @pl.loop(0, _NZ)
            def _(z):
                pltpu.sync_copy(
                    zero_v, acc_sh.at[pl.ds(sid * _STRIPE + z * _ZB, _ZB)]
                )

            plsc.subcore_barrier()

            base_vec = jnp.full((_L,), base, jnp.int32)

            @pl.loop(0, _NSTEP // 2)
            def _(g):
                for sb in (0, 1):
                    st = 2 * g + sb
                    wait_in(sb)
                    compute_idx(sb, base_vec)
                    start_sc(sb)
                    nxt = st + 1

                    @pl.when(nxt < _NSTEP)
                    def _():
                        @pl.when(st >= 1)
                        def _():
                            wait_sc(1 - sb)

                        start_in(1 - sb, pair0 + nxt * _K)

            wait_sc(0)
            wait_sc(1)
            plsc.subcore_barrier()

            out_off = b * _M + base + sid * _STRIPE
            pltpu.sync_copy(
                acc_sh.at[pl.ds(sid * _STRIPE, _STRIPE)],
                out_hbm.at[pl.ds(out_off, _STRIPE)],
            )


@jax.jit
def kernel(input, mask):
    x = input.reshape(-1)
    m = mask.reshape(-1)
    mesh = plsc.VectorSubcoreMesh(core_axis_name="c", subcore_axis_name="s")
    out = pl.kernel(
        _unpool_body,
        out_type=jax.ShapeDtypeStruct((_B * _M,), jnp.float32),
        mesh=mesh,
        scratch_types=[
            pltpu.VMEM((_K,), jnp.int32),
            pltpu.VMEM((_K,), jnp.float32),
            pltpu.VMEM((_K,), jnp.int32),
            pltpu.VMEM((_K,), jnp.int32),
            pltpu.VMEM((_K,), jnp.float32),
            pltpu.VMEM((_K,), jnp.int32),
            pltpu.VMEM((_ZB,), jnp.float32),
            pltpu.VMEM_SHARED((_CH + _TRASH,), jnp.float32),
            pltpu.SemaphoreType.DMA,
            pltpu.SemaphoreType.DMA,
            pltpu.SemaphoreType.DMA,
            pltpu.SemaphoreType.DMA,
        ],
    )(x, m)
    return out.reshape(_B, _H * _STRIDE, _W * _STRIDE, _C)

# --- scband reference (transcript-rebuilt; emitter-appended) ---
"""Pipeline reference for scband-max-unpool2-d-21998822490521 (READ-ONLY COPY).

The authoritative reference and input builder live on the scoring server;
editing this copy changes nothing except your own understanding.
"""

import jax, jax.numpy as jnp
import numpy as np

STRIDE = 2

def setup_inputs(seed: int = 0) -> dict:
    key = jax.random.key(seed)
    k1, k2 = jax.random.split(key)
    B, H, W, C = 8, 112, 112, 96
    x = jax.random.normal(k1, (B, H, W, C), dtype=jnp.float32)
    out_per_batch = (H * STRIDE) * (W * STRIDE) * C
    mask = jax.random.randint(k2, (B, H, W, C), 0, out_per_batch, dtype=jnp.int32)
    return {"input": x, "mask": mask}

def reference(input, mask):
    B, H, W, C = input.shape
    output_shape = (B, H * STRIDE, W * STRIDE, C)
    flat_output_shape = (B, int(np.prod(output_shape[1:])))
    batch_range = jnp.arange(B, dtype=mask.dtype).reshape(B, 1, 1, 1)
    b = (jnp.ones_like(mask) * batch_range).reshape(-1)
    m = mask.reshape(-1)
    x_ = input.reshape(-1)
    # tf.scatter_nd sums contributions for duplicate indices -> .at[...].add
    ret = jnp.zeros(flat_output_shape, dtype=input.dtype).at[b, m].add(x_)
    return ret.reshape(output_shape)

if __name__ == "__main__":
    import jax
    _d = setup_inputs()
    print(jax.jit(kernel)(*tuple(_d.values())))

</pallas_src>

<mosaic_0001>
#map = affine_map<(d0, d1) -> (0)>
module attributes {stable_mosaic.version = 14 : i64} {
  func.func @_unpool_body(%arg0: i32, %arg1: i32, %arg2: memref<9633792xf32, #tpu.memory_space<hbm>>, %arg3: memref<9633792xi32, #tpu.memory_space<hbm>>, %arg4: memref<38535168xf32, #tpu.memory_space<hbm>>, %arg5: memref<3136xi32, #tpu.memory_space<vmem>>, %arg6: memref<3136xf32, #tpu.memory_space<vmem>>, %arg7: memref<3136xi32, #tpu.memory_space<vmem>>, %arg8: memref<3136xi32, #tpu.memory_space<vmem>>, %arg9: memref<3136xf32, #tpu.memory_space<vmem>>, %arg10: memref<3136xi32, #tpu.memory_space<vmem>>, %arg11: memref<3136xf32, #tpu.memory_space<vmem>>, %arg12: memref<1609728xf32, #tpu.memory_space<vmem_shared>>, %arg13: memref<!tpu.dma_semaphore, #tpu.memory_space<semaphore_mem>>, %arg14: memref<!tpu.dma_semaphore, #tpu.memory_space<semaphore_mem>>, %arg15: memref<!tpu.dma_semaphore, #tpu.memory_space<semaphore_mem>>, %arg16: memref<!tpu.dma_semaphore, #tpu.memory_space<semaphore_mem>>) attributes {dimension_semantics = [#tpu.dimension_semantics<core_parallel>, #tpu.dimension_semantics<subcore_parallel>], iteration_bounds = array<i64: 2, 16>, scalar_prefetch = 0 : i64, scratch_operands = 12 : i64, tpu.core_type = #tpu.core_type<sc_vector_subcore>, window_params = [{transform_indices = #map}, {transform_indices = #map}, {transform_indices = #map}]} {
    %broadcast_in_dim3A = arith.constant 0.000000e+00 : f32
    %broadcast_in_dim3A_0 = vector.broadcast %broadcast_in_dim3A : f32 to vector<16xf32>
    %scan3A = arith.constant 0 : i32
    %scan3A_1 = arith.constant 196 : i32
    %scan3A_2 = arith.addi %scan3A, %scan3A_1 : i32
    %scan3A_3 = arith.constant 1 : i32
    scf.for %scan3A_14 = %scan3A to %scan3A_2 step %scan3A_3  : i32 {
      %mul3A = arith.constant 1 : i32
      %mul3A_15 = arith.muli %scan3A_14, %mul3A : i32
      %add3A = arith.constant 0 : i32
      %add3A_16 = arith.addi %add3A, %mul3A_15 : i32
      %mul3A_17 = arith.constant 16 : i32
      %mul3A_18 = arith.muli %add3A_16, %mul3A_17 : i32
      %swap3A = arith.index_cast %mul3A_18 : i32 to index
      %swap3A_19 = tpu.vector_load %arg11[%swap3A] {strides = array<i32>} : memref<3136xf32, #tpu.memory_space<vmem>>, vector<16xf32>,
      %swap3A_20 = vector.shape_cast %swap3A_19 : vector<16xf32> to vector<16xf32>
      %swap3A_21 = vector.shape_cast %broadcast_in_dim3A_0 : vector<16xf32> to vector<16xf32>
      tpu.vector_store %arg11[%swap3A], %swap3A_21 {strides = array<i32>} : memref<3136xf32, #tpu.memory_space<vmem>>, vector<16xf32>,
    }
    %scan3A_4 = arith.constant 196 : i32
    %broadcast_in_dim3A_5 = arith.constant 1605632 : i32
    %broadcast_in_dim3A_6 = vector.broadcast %broadcast_in_dim3A_5 : i32 to vector<16xi32>
    %broadcast_in_dim3A_7 = arith.constant 4095 : i32
    %broadcast_in_dim3A_8 = vector.broadcast %broadcast_in_dim3A_7 : i32 to vector<16xi32>
    %scan3A_9 = arith.constant 0 : i32
    %scan3A_10 = arith.constant 4 : i32
    %scan3A_11 = arith.addi %scan3A_9, %scan3A_10 : i32
    %scan3A_12 = arith.constant 1 : i32
    scf.for %scan3A_14 = %scan3A_9 to %scan3A_11 step %scan3A_12  : i32 {
      %mul3A = arith.constant 1 : i32
      %mul3A_15 = arith.muli %scan3A_14, %mul3A : i32
      %add3A = arith.constant 0 : i32
      %add3A_16 = arith.addi %add3A, %mul3A_15 : i32
      %mul3A_17 = arith.constant 4 : i32
      %mul3A_18 = arith.muli %arg0, %mul3A_17 : i32
      %add3A_19 = arith.addi %mul3A_18, %add3A_16 : i32
      %mul3A_20 = arith.constant 1204224 : i32
      %mul3A_21 = arith.muli %add3A_19, %mul3A_20 : i32
      %mul3A_22 = arith.constant 75264 : i32
      %mul3A_23 = arith.muli %arg1, %mul3A_22 : i32
      %add3A_24 = arith.addi %mul3A_21, %mul3A_23 : i32
      %scan3A_25 = arith.constant 0 : i32
      %scan3A_26 = arith.constant 3 : i32
      %scan3A_27 = arith.addi %scan3A_25, %scan3A_26 : i32
      %scan3A_28 = arith.constant 1 : i32
      scf.for %scan3A_30 = %scan3A_25 to %scan3A_27 step %scan3A_28  : i32 {
        %mul3A_31 = arith.constant 1 : i32
        %mul3A_32 = arith.muli %scan3A_30, %mul3A_31 : i32
        %add3A_33 = arith.constant 0 : i32
        %add3A_34 = arith.addi %add3A_33, %mul3A_32 : i32
        %mul3A_35 = arith.constant 1605632 : i32
        %mul3A_36 = arith.muli %add3A_34, %mul3A_35 : i32
        %dma_start3A = tpu.memref_slice %arg3[%add3A_24] : memref<9633792xi32, #tpu.memory_space<hbm>> -> memref<3136xi32, #tpu.memory_space<hbm>>
        %dma_start3A_37 = tpu.memref_slice %arg3[%add3A_24] : memref<9633792xi32, #tpu.memory_space<hbm>> -> memref<3136xi32, #tpu.memory_space<hbm>>
        tpu.enqueue_dma source(%dma_start3A_37 : memref<3136xi32, #tpu.memory_space<hbm>>) target(%arg5 : memref<3136xi32, #tpu.memory_space<vmem>>) target_semaphore(%arg13 : memref<!tpu.dma_semaphore, #tpu.memory_space<semaphore_mem>>)
        %dma_start3A_38 = tpu.memref_slice %arg2[%add3A_24] : memref<9633792xf32, #tpu.memory_space<hbm>> -> memref<3136xf32, #tpu.memory_space<hbm>>
        %dma_start3A_39 = tpu.memref_slice %arg2[%add3A_24] : memref<9633792xf32, #tpu.memory_space<hbm>> -> memref<3136xf32, #tpu.memory_space<hbm>>
        tpu.enqueue_dma source(%dma_start3A_39 : memref<3136xf32, #tpu.memory_space<hbm>>) target(%arg6 : memref<3136xf32, #tpu.memory_space<vmem>>) target_semaphore(%arg13 : memref<!tpu.dma_semaphore, #tpu.memory_space<semaphore_mem>>)
        %scan3A_40 = arith.constant 0 : i32
        %scan3A_41 = arith.constant 32 : i32
        %scan3A_42 = arith.addi %scan3A_40, %scan3A_41 : i32
        %scan3A_43 = arith.constant 1 : i32
        scf.for %scan3A_63 = %scan3A_40 to %scan3A_42 step %scan3A_43  : i32 {
          %mul3A_64 = arith.constant 1 : i32
          %mul3A_65 = arith.muli %scan3A_63, %mul3A_64 : i32
          %add3A_66 = arith.constant 0 : i32
          %add3A_67 = arith.addi %add3A_66, %mul3A_65 : i32
          %mul3A_68 = arith.constant 100352 : i32
          %mul3A_69 = arith.muli %arg1, %mul3A_68 : i32
          %mul3A_70 = arith.constant 3136 : i32
          %mul3A_71 = arith.muli %add3A_67, %mul3A_70 : i32
          %add3A_72 = arith.addi %mul3A_69, %mul3A_71 : i32
          "tpu.region"() ({
            %run_scoped3A = tpu.sem_alloc : memref<!tpu.dma_semaphore, #tpu.memory_space<semaphore_mem>>
            %dma_start3A_73 = tpu.memref_slice %arg12[%add3A_72] : memref<1609728xf32, #tpu.memory_space<vmem_shared>> -> memref<3136xf32, #tpu.memory_space<vmem_shared>>
            %dma_start3A_74 = tpu.memref_slice %arg12[%add3A_72] : memref<1609728xf32, #tpu.memory_space<vmem_shared>> -> memref<3136xf32, #tpu.memory_space<vmem_shared>>
            tpu.enqueue_dma source(%arg11 : memref<3136xf32, #tpu.memory_space<vmem>>) target(%dma_start3A_74 : memref<3136xf32, #tpu.memory_space<vmem_shared>>) target_semaphore(%run_scoped3A : memref<!tpu.dma_semaphore, #tpu.memory_space<semaphore_mem>>)
            %dma_wait3A_75 = tpu.memref_slice %arg12[%add3A_72] : memref<1609728xf32, #tpu.memory_space<vmem_shared>> -> memref<3136xf32, #tpu.memory_space<vmem_shared>>
            %dma_wait3A_76 = tpu.memref_slice %arg12[%add3A_72] : memref<1609728xf32, #tpu.memory_space<vmem_shared>> -> memref<3136xf32, #tpu.memory_space<vmem_shared>>
            tpu.wait_dma2 semaphore(%run_scoped3A : memref<!tpu.dma_semaphore, #tpu.memory_space<semaphore_mem>>) src(%arg11 : memref<3136xf32, #tpu.memory_space<vmem>>) dst(%dma_wait3A_76 : memref<3136xf32, #tpu.memory_space<vmem_shared>>)
            tpu.yield
          }) : () -> ()
        }
        %scan3A_44 = arith.constant 32 : i32
        %barrier3A = arith.constant 0 : index
        tpu.barrier barrier_id(%barrier3A)
        %broadcast_in_dim3A_45 = vector.broadcast %mul3A_36 : i32 to vector<16xi32>
        %scan3A_46 = arith.constant 0 : i32
        %scan3A_47 = arith.constant 12 : i32
        %scan3A_48 = arith.addi %scan3A_46, %scan3A_47 : i32
        %scan3A_49 = arith.constant 1 : i32
        scf.for %scan3A_63 = %scan3A_46 to %scan3A_48 step %scan3A_49  : i32 {
          %mul3A_64 = arith.constant 1 : i32
          %mul3A_65 = arith.muli %scan3A_63, %mul3A_64 : i32
          %add3A_66 = arith.constant 0 : i32
          %add3A_67 = arith.addi %add3A_66, %mul3A_65 : i32
          %mul3A_68 = arith.constant 2 : i32
          %mul3A_69 = arith.muli %mul3A_68, %add3A_67 : i32
          %add3A_70 = arith.constant 0 : i32
          %add3A_71 = arith.addi %mul3A_69, %add3A_70 : i32
          %dma_wait3A_72 = arith.constant 0 : i32
          %dma_wait3A_73 = tpu.memref_slice %arg3[%dma_wait3A_72] : memref<9633792xi32, #tpu.memory_space<hbm>> -> memref<3136xi32, #tpu.memory_space<hbm>>
          %dma_wait3A_74 = arith.constant 0 : i32
          %dma_wait3A_75 = tpu.memref_slice %arg3[%dma_wait3A_74] : memref<9633792xi32, #tpu.memory_space<hbm>> -> memref<3136xi32, #tpu.memory_space<hbm>>
          tpu.wait_dma2 semaphore(%arg13 : memref<!tpu.dma_semaphore, #tpu.memory_space<semaphore_mem>>) src(%dma_wait3A_75 : memref<3136xi32, #tpu.memory_space<hbm>>) dst(%arg5 : memref<3136xi32, #tpu.memory_space<vmem>>)
          %dma_wait3A_76 = arith.constant 0 : i32
          %dma_wait3A_77 = tpu.memref_slice %arg2[%dma_wait3A_76] : memref<9633792xf32, #tpu.memory_space<hbm>> -> memref<3136xf32, #tpu.memory_space<hbm>>
          %dma_wait3A_78 = arith.constant 0 : i32
          %dma_wait3A_79 = tpu.memref_slice %arg2[%dma_wait3A_78] : memref<9633792xf32, #tpu.memory_space<hbm>> -> memref<3136xf32, #tpu.memory_space<hbm>>
          tpu.wait_dma2 semaphore(%arg13 : memref<!tpu.dma_semaphore, #tpu.memory_space<semaphore_mem>>) src(%dma_wait3A_79 : memref<3136xf32, #tpu.memory_space<hbm>>) dst(%arg6 : memref<3136xf32, #tpu.memory_space<vmem>>)
          %parallel_loop3A = arith.constant 0 : i32
          %parallel_loop3A_80 = arith.constant 196 : i32
          %parallel_loop3A_81 = arith.constant 1 : i32
          scf.for %parallel_loop3A_112 = %parallel_loop3A to %parallel_loop3A_80 step %parallel_loop3A_81  : i32 {
            %parallel_loop3A_113 = arith.constant 16 : i32
            %parallel_loop3A_114 = arith.muli %parallel_loop3A_112, %parallel_loop3A_113 : i32
            %parallel_loop3A_115 = arith.index_cast %parallel_loop3A_114 : i32 to index
            %parallel_loop3A_116 = tpu.vector_load %arg5[%parallel_loop3A_115] {strides = array<i32>} : memref<3136xi32, #tpu.memory_space<vmem>>, vector<16xi32>,
            %parallel_loop3A_117 = vector.shape_cast %parallel_loop3A_116 : vector<16xi32> to vector<16xi32>
            %parallel_loop3A_118 = vector.bitcast %parallel_loop3A_117 : vector<16xi32> to vector<16xi32>
            %parallel_loop3A_119 = arith.subi %parallel_loop3A_117, %broadcast_in_dim3A_45 : vector<16xi32>
            %parallel_loop3A_120 = vector.bitcast %parallel_loop3A_119 : vector<16xi32> to vector<16xi32>
            %parallel_loop3A_121 = arith.andi %parallel_loop3A_118, %broadcast_in_dim3A_8 : vector<16xi32>
            %parallel_loop3A_122 = arith.addi %broadcast_in_dim3A_6, %parallel_loop3A_121 : vector<16xi32>
            %parallel_loop3A_123 = arith.minui %parallel_loop3A_120, %parallel_loop3A_122 : vector<16xi32>
            %parallel_loop3A_124 = vector.bitcast %parallel_loop3A_123 : vector<16xi32> to vector<16xi32>
            %parallel_loop3A_125 = arith.constant 16 : i32
            %parallel_loop3A_126 = arith.muli %parallel_loop3A_112, %parallel_loop3A_125 : i32
            %parallel_loop3A_127 = arith.index_cast %parallel_loop3A_126 : i32 to index
            %parallel_loop3A_128 = tpu.vector_load %arg7[%parallel_loop3A_127] {strides = array<i32>} : memref<3136xi32, #tpu.memory_space<vmem>>, vector<16xi32>,
            %parallel_loop3A_129 = vector.shape_cast %parallel_loop3A_128 : vector<16xi32> to vector<16xi32>
            %parallel_loop3A_130 = vector.shape_cast %parallel_loop3A_124 : vector<16xi32> to vector<16xi32>
            tpu.vector_store %arg7[%parallel_loop3A_127], %parallel_loop3A_130 {strides = array<i32>} : memref<3136xi32, #tpu.memory_space<vmem>>, vector<16xi32>,
          } {sc.loop_unroll_factor = 8 : i64, sc.parallel_access}
          %dma_start3A_82 = arith.constant 0 : i32
          %dma_start3A_83 = tpu.memref_slice %arg12[%dma_start3A_82] : memref<1609728xf32, #tpu.memory_space<vmem_shared>> -> memref<1609728xf32, #tpu.memory_space<vmem_shared>>
          tpu.enqueue_indirect_dma source(%arg6 : memref<3136xf32, #tpu.memory_space<vmem>>) target(%dma_start3A_83 : memref<1609728xf32, #tpu.memory_space<vmem_shared>>) offsets(%arg7 : memref<3136xi32, #tpu.memory_space<vmem>>) semaphore(%arg15 : memref<!tpu.dma_semaphore, #tpu.memory_space<semaphore_mem>>) {add = true}
          %add3A_84 = arith.constant 1 : i32
          %add3A_85 = arith.addi %add3A_71, %add3A_84 : i32
          %lt3A = arith.constant 24 : i32
          %lt3A_86 = arith.cmpi slt, %add3A_85, %lt3A : i32
          %convert_element_type3A = arith.extui %lt3A_86 : i1 to i32
          %cond3A = arith.constant 0 : i32
          %cond3A_87 = arith.cmpi ne, %convert_element_type3A, %cond3A : i32
          scf.if %cond3A_87 {
            %ge3A = arith.constant 1 : i32
            %ge3A_112 = arith.cmpi sge, %add3A_71, %ge3A : i32
            %convert_element_type3A_113 = arith.extui %ge3A_112 : i1 to i32
            %cond3A_114 = arith.constant 0 : i32
            %cond3A_115 = arith.cmpi ne, %convert_element_type3A_113, %cond3A_114 : i32
            scf.if %cond3A_115 {
              %dma_wait3A_123 = arith.constant 0 : i32
              %dma_wait3A_124 = tpu.memref_slice %arg12[%dma_wait3A_123] : memref<1609728xf32, #tpu.memory_space<vmem_shared>> -> memref<1609728xf32, #tpu.memory_space<vmem_shared>>
              tpu.wait_indirect_dma semaphore(%arg16 : memref<!tpu.dma_semaphore, #tpu.memory_space<semaphore_mem>>) src(%arg9 : memref<3136xf32, #tpu.memory_space<vmem>>) dst(%dma_wait3A_124 : memref<1609728xf32, #tpu.memory_space<vmem_shared>>)
            } else {
            }
            %mul3A_116 = arith.constant 3136 : i32
            %mul3A_117 = arith.muli %add3A_85, %mul3A_116 : i32
            %add3A_118 = arith.addi %add3A_24, %mul3A_117 : i32
            %dma_start3A_119 = tpu.memref_slice %arg3[%add3A_118] : memref<9633792xi32, #tpu.memory_space<hbm>> -> memref<3136xi32, #tpu.memory_space<hbm>>
            %dma_start3A_120 = tpu.memref_slice %arg3[%add3A_118] : memref<9633792xi32, #tpu.memory_space<hbm>> -> memref<3136xi32, #tpu.memory_space<hbm>>
            tpu.enqueue_dma source(%dma_start3A_120 : memref<3136xi32, #tpu.memory_space<hbm>>) target(%arg8 : memref<3136xi32, #tpu.memory_space<vmem>>) target_semaphore(%arg14 : memref<!tpu.dma_semaphore, #tpu.memory_space<semaphore_mem>>)
            %dma_start3A_121 = tpu.memref_slice %arg2[%add3A_118] : memref<9633792xf32, #tpu.memory_space<hbm>> -> memref<3136xf32, #tpu.memory_space<hbm>>
            %dma_start3A_122 = tpu.memref_slice %arg2[%add3A_118] : memref<9633792xf32, #tpu.memory_space<hbm>> -> memref<3136xf32, #tpu.memory_space<hbm>>
            tpu.enqueue_dma source(%dma_start3A_122 : memref<3136xf32, #tpu.memory_space<hbm>>) target(%arg9 : memref<3136xf32, #tpu.memory_space<vmem>>) target_semaphore(%arg14 : memref<!tpu.dma_semaphore, #tpu.memory_space<semaphore_mem>>)
          } else {
          }
          %mul3A_88 = arith.constant 2 : i32
          %mul3A_89 = arith.muli %mul3A_88, %add3A_67 : i32
          %add3A_90 = arith.constant 1 : i32
          %add3A_91 = arith.addi %mul3A_89, %add3A_90 : i32
          %dma_wait3A_92 = arith.constant 0 : i32
          %dma_wait3A_93 = tpu.memref_slice %arg3[%dma_wait3A_92] : memref<9633792xi32, #tpu.memory_space<hbm>> -> memref<3136xi32, #tpu.memory_space<hbm>>
          %dma_wait3A_94 = arith.constant 0 : i32
          %dma_wait3A_95 = tpu.memref_slice %arg3[%dma_wait3A_94] : memref<9633792xi32, #tpu.memory_space<hbm>> -> memref<3136xi32, #tpu.memory_space<hbm>>
          tpu.wait_dma2 semaphore(%arg14 : memref<!tpu.dma_semaphore, #tpu.memory_space<semaphore_mem>>) src(%dma_wait3A_95 : memref<3136xi32, #tpu.memory_space<hbm>>) dst(%arg8 : memref<3136xi32, #tpu.memory_space<vmem>>)
          %dma_wait3A_96 = arith.constant 0 : i32
          %dma_wait3A_97 = tpu.memref_slice %arg2[%dma_wait3A_96] : memref<9633792xf32, #tpu.memory_space<hbm>> -> memref<3136xf32, #tpu.memory_space<hbm>>
          %dma_wait3A_98 = arith.constant 0 : i32
          %dma_wait3A_99 = tpu.memref_slice %arg2[%dma_wait3A_98] : memref<9633792xf32, #tpu.memory_space<hbm>> -> memref<3136xf32, #tpu.memory_space<hbm>>
          tpu.wait_dma2 semaphore(%arg14 : memref<!tpu.dma_semaphore, #tpu.memory_space<semaphore_mem>>) src(%dma_wait3A_99 : memref<3136xf32, #tpu.memory_space<hbm>>) dst(%arg9 : memref<3136xf32, #tpu.memory_space<vmem>>)
          %parallel_loop3A_100 = arith.constant 0 : i32
          %parallel_loop3A_101 = arith.constant 196 : i32
          %parallel_loop3A_102 = arith.constant 1 : i32
          scf.for %parallel_loop3A_112 = %parallel_loop3A_100 to %parallel_loop3A_101 step %parallel_loop3A_102  : i32 {
            %parallel_loop3A_113 = arith.constant 16 : i32
            %parallel_loop3A_114 = arith.muli %parallel_loop3A_112, %parallel_loop3A_113 : i32
            %parallel_loop3A_115 = arith.index_cast %parallel_loop3A_114 : i32 to index
            %parallel_loop3A_116 = tpu.vector_load %arg8[%parallel_loop3A_115] {strides = array<i32>} : memref<3136xi32, #tpu.memory_space<vmem>>, vector<16xi32>,
            %parallel_loop3A_117 = vector.shape_cast %parallel_loop3A_116 : vector<16xi32> to vector<16xi32>
            %parallel_loop3A_118 = vector.bitcast %parallel_loop3A_117 : vector<16xi32> to vector<16xi32>
            %parallel_loop3A_119 = arith.subi %parallel_loop3A_117, %broadcast_in_dim3A_45 : vector<16xi32>
            %parallel_loop3A_120 = vector.bitcast %parallel_loop3A_119 : vector<16xi32> to vector<16xi32>
            %parallel_loop3A_121 = arith.andi %parallel_loop3A_118, %broadcast_in_dim3A_8 : vector<16xi32>
            %parallel_loop3A_122 = arith.addi %broadcast_in_dim3A_6, %parallel_loop3A_121 : vector<16xi32>
            %parallel_loop3A_123 = arith.minui %parallel_loop3A_120, %parallel_loop3A_122 : vector<16xi32>
            %parallel_loop3A_124 = vector.bitcast %parallel_loop3A_123 : vector<16xi32> to vector<16xi32>
            %parallel_loop3A_125 = arith.constant 16 : i32
            %parallel_loop3A_126 = arith.muli %parallel_loop3A_112, %parallel_loop3A_125 : i32
            %parallel_loop3A_127 = arith.index_cast %parallel_loop3A_126 : i32 to index
            %parallel_loop3A_128 = tpu.vector_load %arg10[%parallel_loop3A_127] {strides = array<i32>} : memref<3136xi32, #tpu.memory_space<vmem>>, vector<16xi32>,
            %parallel_loop3A_129 = vector.shape_cast %parallel_loop3A_128 : vector<16xi32> to vector<16xi32>
            %parallel_loop3A_130 = vector.shape_cast %parallel_loop3A_124 : vector<16xi32> to vector<16xi32>
            tpu.vector_store %arg10[%parallel_loop3A_127], %parallel_loop3A_130 {strides = array<i32>} : memref<3136xi32, #tpu.memory_space<vmem>>, vector<16xi32>,
          } {sc.loop_unroll_factor = 8 : i64, sc.parallel_access}
          %dma_start3A_103 = arith.constant 0 : i32
          %dma_start3A_104 = tpu.memref_slice %arg12[%dma_start3A_103] : memref<1609728xf32, #tpu.memory_space<vmem_shared>> -> memref<1609728xf32, #tpu.memory_space<vmem_shared>>
          tpu.enqueue_indirect_dma source(%arg9 : memref<3136xf32, #tpu.memory_space<vmem>>) target(%dma_start3A_104 : memref<1609728xf32, #tpu.memory_space<vmem_shared>>) offsets(%arg10 : memref<3136xi32, #tpu.memory_space<vmem>>) semaphore(%arg16 : memref<!tpu.dma_semaphore, #tpu.memory_space<semaphore_mem>>) {add = true}
          %add3A_105 = arith.constant 1 : i32
          %add3A_106 = arith.addi %add3A_91, %add3A_105 : i32
          %lt3A_107 = arith.constant 24 : i32
          %lt3A_108 = arith.cmpi slt, %add3A_106, %lt3A_107 : i32
          %convert_element_type3A_109 = arith.extui %lt3A_108 : i1 to i32
          %cond3A_110 = arith.constant 0 : i32
          %cond3A_111 = arith.cmpi ne, %convert_element_type3A_109, %cond3A_110 : i32
          scf.if %cond3A_111 {
            %ge3A = arith.constant 1 : i32
            %ge3A_112 = arith.cmpi sge, %add3A_91, %ge3A : i32
            %convert_element_type3A_113 = arith.extui %ge3A_112 : i1 to i32
            %cond3A_114 = arith.constant 0 : i32
            %cond3A_115 = arith.cmpi ne, %convert_element_type3A_113, %cond3A_114 : i32
            scf.if %cond3A_115 {
              %dma_wait3A_123 = arith.constant 0 : i32
              %dma_wait3A_124 = tpu.memref_slice %arg12[%dma_wait3A_123] : memref<1609728xf32, #tpu.memory_space<vmem_shared>> -> memref<1609728xf32, #tpu.memory_space<vmem_shared>>
              tpu.wait_indirect_dma semaphore(%arg15 : memref<!tpu.dma_semaphore, #tpu.memory_space<semaphore_mem>>) src(%arg6 : memref<3136xf32, #tpu.memory_space<vmem>>) dst(%dma_wait3A_124 : memref<1609728xf32, #tpu.memory_space<vmem_shared>>)
            } else {
            }
            %mul3A_116 = arith.constant 3136 : i32
            %mul3A_117 = arith.muli %add3A_106, %mul3A_116 : i32
            %add3A_118 = arith.addi %add3A_24, %mul3A_117 : i32
            %dma_start3A_119 = tpu.memref_slice %arg3[%add3A_118] : memref<9633792xi32, #tpu.memory_space<hbm>> -> memref<3136xi32, #tpu.memory_space<hbm>>
            %dma_start3A_120 = tpu.memref_slice %arg3[%add3A_118] : memref<9633792xi32, #tpu.memory_space<hbm>> -> memref<3136xi32, #tpu.memory_space<hbm>>
            tpu.enqueue_dma source(%dma_start3A_120 : memref<3136xi32, #tpu.memory_space<hbm>>) target(%arg5 : memref<3136xi32, #tpu.memory_space<vmem>>) target_semaphore(%arg13 : memref<!tpu.dma_semaphore, #tpu.memory_space<semaphore_mem>>)
            %dma_start3A_121 = tpu.memref_slice %arg2[%add3A_118] : memref<9633792xf32, #tpu.memory_space<hbm>> -> memref<3136xf32, #tpu.memory_space<hbm>>
            %dma_start3A_122 = tpu.memref_slice %arg2[%add3A_118] : memref<9633792xf32, #tpu.memory_space<hbm>> -> memref<3136xf32, #tpu.memory_space<hbm>>
            tpu.enqueue_dma source(%dma_start3A_122 : memref<3136xf32, #tpu.memory_space<hbm>>) target(%arg6 : memref<3136xf32, #tpu.memory_space<vmem>>) target_semaphore(%arg13 : memref<!tpu.dma_semaphore, #tpu.memory_space<semaphore_mem>>)
          } else {
          }
        }
        %scan3A_50 = arith.constant 12 : i32
        %dma_wait3A = arith.constant 0 : i32
        %dma_wait3A_51 = tpu.memref_slice %arg12[%dma_wait3A] : memref<1609728xf32, #tpu.memory_space<vmem_shared>> -> memref<1609728xf32, #tpu.memory_space<vmem_shared>>
        tpu.wait_indirect_dma semaphore(%arg15 : memref<!tpu.dma_semaphore, #tpu.memory_space<semaphore_mem>>) src(%arg6 : memref<3136xf32, #tpu.memory_space<vmem>>) dst(%dma_wait3A_51 : memref<1609728xf32, #tpu.memory_space<vmem_shared>>)
        %dma_wait3A_52 = arith.constant 0 : i32
        %dma_wait3A_53 = tpu.memref_slice %arg12[%dma_wait3A_52] : memref<1609728xf32, #tpu.memory_space<vmem_shared>> -> memref<1609728xf32, #tpu.memory_space<vmem_shared>>
        tpu.wait_indirect_dma semaphore(%arg16 : memref<!tpu.dma_semaphore, #tpu.memory_space<semaphore_mem>>) src(%arg9 : memref<3136xf32, #tpu.memory_space<vmem>>) dst(%dma_wait3A_53 : memref<1609728xf32, #tpu.memory_space<vmem_shared>>)
        %barrier3A_54 = arith.constant 0 : index
        tpu.barrier barrier_id(%barrier3A_54)
        %mul3A_55 = arith.constant 4816896 : i32
        %mul3A_56 = arith.muli %add3A_19, %mul3A_55 : i32
        %add3A_57 = arith.addi %mul3A_56, %mul3A_36 : i32
        %mul3A_58 = arith.constant 100352 : i32
        %mul3A_59 = arith.muli %arg1, %mul3A_58 : i32
        %add3A_60 = arith.addi %add3A_57, %mul3A_59 : i32
        %mul3A_61 = arith.constant 100352 : i32
        %mul3A_62 = arith.muli %arg1, %mul3A_61 : i32
        "tpu.region"() ({
          %run_scoped3A = tpu.sem_alloc : memref<!tpu.dma_semaphore, #tpu.memory_space<semaphore_mem>>
          %dma_start3A_63 = tpu.memref_slice %arg4[%add3A_60] : memref<38535168xf32, #tpu.memory_space<hbm>> -> memref<100352xf32, #tpu.memory_space<hbm>>
          %dma_start3A_64 = tpu.memref_slice %arg12[%mul3A_62] : memref<1609728xf32, #tpu.memory_space<vmem_shared>> -> memref<100352xf32, #tpu.memory_space<vmem_shared>>
          tpu.enqueue_dma source(%dma_start3A_64 : memref<100352xf32, #tpu.memory_space<vmem_shared>>) target(%dma_start3A_63 : memref<100352xf32, #tpu.memory_space<hbm>>) target_semaphore(%run_scoped3A : memref<!tpu.dma_semaphore, #tpu.memory_space<semaphore_mem>>)
          %dma_wait3A_65 = tpu.memref_slice %arg4[%add3A_60] : memref<38535168xf32, #tpu.memory_space<hbm>> -> memref<100352xf32, #tpu.memory_space<hbm>>
          %dma_wait3A_66 = tpu.memref_slice %arg12[%mul3A_62] : memref<1609728xf32, #tpu.memory_space<vmem_shared>> -> memref<100352xf32, #tpu.memory_space<vmem_shared>>
          tpu.wait_dma2 semaphore(%run_scoped3A : memref<!tpu.dma_semaphore, #tpu.memory_space<semaphore_mem>>) src(%dma_wait3A_66 : memref<100352xf32, #tpu.memory_space<vmem_shared>>) dst(%dma_wait3A_65 : memref<100352xf32, #tpu.memory_space<hbm>>)
          tpu.yield
        }) : () -> ()
      }
      %scan3A_29 = arith.constant 3 : i32
    }
    %scan3A_13 = arith.constant 4 : i32
    return
  }
}

</mosaic_0001>

<sc_bundles>
// kernel: kernel.3.cloned.1.call-start
scs
__scs_entry_jumppad:
0x0: {  	(pc) =	sbr.rel $0x88, $3  }
0x1: {  	(tag) =	ssettag $0x0;
	lr =	simm.s32 $0x1  }
0x2: {  	[smem:$0x3F9F] =	sst lr;
	_ =	strace $0xD0000000  }
0x3: {  	_ = 	snop  }
0x4: {  	_ = 	snop  }
0x5: {  	_ = 	snop  }
0x6: {  	_ = 	snop  }
0x7: {  	_ = 	snop  }
__scs_overlays_trampoline_lowered:
0x8: {  	[smem:$0x3FAE] =	sst s0  }
0x9: {  	[smem:$0x3FAF] =	sst s1  }
0xa: {  	[smem:$0x3FB0] =	sst s2  }
0xb: {  	[smem:$0x3FB1] =	sst s3  }
0xc: {  	[smem:$0x3FB2] =	sst s4  }
0xd: {  	[smem:$0x3FB3] =	sst s5  }
0xe: {  	[smem:$0x3FB4] =	sst s6  }
0xf: {  	[smem:$0x3FB5] =	sst s7  }
0x10: {  	[smem:$0x3FB6] =	sst s8  }
0x11: {  	[smem:$0x3FB7] =	sst s9;
	s0 =	simm.s32 @!p0 $0x0  }
0x12: {  	s1 =	sld [smem:$0x3F9D];
	s0 =	simm.s32 @p0 $0x1  }
0x13: {  	[smem:$0x3FB8] =	sst s0;
	s0 =	simm.s32 @!p1 $0x0  }
0x14: {  	s2 =	sld [smem:$0x3F9C];
	s0 =	simm.s32 @p1 $0x1  }
0x15: {  	[smem:$0x3FB9] =	sst s0;
	s0 =	simm.s32 @!p2 $0x0  }
0x16: {  	s3 =	sld [smem:$0x3FDB];
	s0 =	simm.s32 @p2 $0x1  }
0x17: {  	s4 =	simm.s32 $0x1BF5;
	[smem:$0x3FBB] =	sst s0  }
0x18: {  	s0 =	sld [smem:$0x3F9E];
	_ =	swait.ge [sflag:s4], $0x0  }
0x19: {  	s7 =	sld [smem:$0x3F9F]  }
0x1a: {  	s8 =	sadd.s32 $0xFFFFE003, lr  }
0x1b: {  	s9 =	sadd.s32 $0xFFFFFEF7, lr;
	s5 =	simm.s32 $0xFFFFFFFF;
	p2 =	slt.u32 s8, $0xFFFFF086  }
0x1c: {  	p1 =	slt.u32 s9, $0xF7A;
	s5 =	simm.s32 @!p2 $0x0  }
0x1d: {  	s5 =	simm.s32 @p1 $0x1;
	p0 =	seq.s32 s7, s2  }
0x1e: {  	s7 =	smul.u32 @!p0 $0xF7A, s2;
	p2 =	seq.s32 @!p0 s5, $0x0  }
0x1f: {  	s9 =	smul.u32 $0xF7A, s1;
	s8 =	simm.s32 @!p0 $0x1BF5;
	p2 =	por !p2, p0  }
0x20: {  	[sflag:s8] =	ssyncset.s32 @!p0 $0xFFFFF086;
	s6 =	sadd.s32 @!p0 s3, s7;
	s7 =	simm.s32 @!p0 $0x108  }
0x21: {  	s3 =	sadd.s32 s3, s9;
	s6 =	sadd.s32 @!p0 $0x88, s6;
	s7 =	simm.s32 @p2 $0x1082  }
0x22: {  	[simem:s7], [sflag:s8] =	dma.local @!p0 [hbm:s6], $0xF7A  }
0x23: {  	s9 =	sor.u32 $0xD0000000, s2;
	s6 =	simm.s32 $0x108;
	_ =	swait.ge @!p0 [sflag:s8], $0x0  }
0x24: {  	s3 =	sadd.s32 $0x88, s3;
	s6 =	simm.s32 @!p1 $0x1082;
	[sflag:s4] =	ssyncset.s32 $0xFFFFF086  }
0x25: {  	[simem:s6], [sflag:s4] =	dma.local [hbm:s3], $0xF7A  }
0x26: {  	[smem:$0x3F9F] =	sst s1;
	(tag) =	ssettag s2;
	_ =	strace s9  }
0x27: {  	s1 =	sld [smem:$0x3FAF]  }
0x28: {  	s2 =	sld [smem:$0x3FB0]  }
0x29: {  	s4 =	sld [smem:$0x3FB2]  }
0x2a: {  	p0 =	seq.s32 s5, $0x0;
	s5 =	sld [smem:$0x3FB3]  }
0x2b: {  	s6 =	sld [smem:$0x3FB4]  }
0x2c: {  	s7 =	sld [smem:$0x3FB5]  }
0x2d: {  	s3 =	simm.s32 $0x108;
	s8 =	sld [smem:$0x3FB6]  }
0x2e: {  	s3 =	simm.s32 @!p0 $0x1082;
	s9 =	sld [smem:$0x3FB7]  }
0x2f: {  	lr =	sadd.s32 s0, s3;
	s0 =	sld [smem:$0x3FAE]  }
0x30: {  	s3 =	sld [smem:$0x3FB1]  }
0x31: {  	[smem:$0x3FBA] =	sst s10  }
0x32: {  	s10 =	sld [smem:$0x3FB8];
	_ =	sdelay $0x3  }
0x33: {  	p0 =	seq.s32 s10, $0x1;
	s10 =	sld [smem:$0x3FBA];
	_ =	sdelay $0x3  }
0x34: {  	[smem:$0x3FBA] =	sst s10  }
0x35: {  	s10 =	sld [smem:$0x3FB9];
	_ =	sdelay $0x3  }
0x36: {  	p1 =	seq.s32 s10, $0x1;
	s10 =	sld [smem:$0x3FBA];
	_ =	sdelay $0x3  }
0x37: {  	[smem:$0x3FBA] =	sst s10  }
0x38: {  	s10 =	sld [smem:$0x3FBB]  }
0x39: {  	_ = 	snop;
	(pc) =	sbr.ind lr, $3  }
0x3a: {  	_ = 	snop  }
0x3b: {  	_ = 	snop  }
0x3c: {  	p2 =	seq.s32 s10, $0x1;
	s10 =	sld [smem:$0x3FBA]  }
0x3d: {  	_ =	shalt  }
0x3e: {  	_ =	shalt  }
0x3f: {  	_ =	shalt  }
0x40: {  	_ =	shalt  }
0x41: {  	_ =	shalt  }
0x42: {  	_ =	shalt  }
0x43: {  	_ =	shalt  }
0x44: {  	_ =	shalt  }
0x45: {  	_ =	shalt  }
0x46: {  	_ =	shalt  }
0x47: {  	_ =	shalt  }
0x48: {  	_ =	shalt  }
0x49: {  	_ =	shalt  }
0x4a: {  	_ =	shalt  }
0x4b: {  	_ =	shalt  }
0x4c: {  	_ =	shalt  }
0x4d: {  	_ =	shalt  }
0x4e: {  	_ =	shalt  }
0x4f: {  	_ =	shalt  }
0x50: {  	_ =	shalt  }
0x51: {  	_ =	shalt  }
0x52: {  	_ =	shalt  }
0x53: {  	_ =	shalt  }
0x54: {  	_ =	shalt  }
0x55: {  	_ =	shalt  }
0x56: {  	_ =	shalt  }
0x57: {  	_ =	shalt  }
0x58: {  	_ =	shalt  }
0x59: {  	_ =	shalt  }
0x5a: {  	_ =	shalt  }
0x5b: {  	_ =	shalt  }
0x5c: {  	_ =	shalt  }
0x5d: {  	_ =	shalt  }
0x5e: {  	_ =	shalt  }
0x5f: {  	_ =	shalt  }
0x60: {  	_ =	shalt  }
0x61: {  	_ =	shalt  }
0x62: {  	_ =	shalt  }
0x63: {  	_ =	shalt  }
0x64: {  	_ =	shalt  }
0x65: {  	_ =	shalt  }
0x66: {  	_ =	shalt  }
0x67: {  	_ =	shalt  }
0x68: {  	_ =	shalt  }
0x69: {  	_ =	shalt  }
0x6a: {  	_ =	shalt  }
0x6b: {  	_ =	shalt  }
0x6c: {  	_ =	shalt  }
0x6d: {  	_ =	shalt  }
0x6e: {  	_ =	shalt  }
0x6f: {  	_ =	shalt  }
0x70: {  	_ =	shalt  }
0x71: {  	_ =	shalt  }
0x72: {  	_ =	shalt  }
0x73: {  	_ =	shalt  }
0x74: {  	_ =	shalt  }
0x75: {  	_ =	shalt  }
0x76: {  	_ =	shalt  }
0x77: {  	_ =	shalt  }
0x78: {  	_ =	shalt  }
0x79: {  	_ =	shalt  }
0x7a: {  	_ =	shalt  }
0x7b: {  	_ =	shalt  }
0x7c: {  	_ =	shalt  }
0x7d: {  	_ =	shalt  }
0x7e: {  	_ =	shalt  }
0x7f: {  	_ =	shalt  }
0x80: {  	_ =	shalt  }
0x81: {  	_ =	shalt  }
0x82: {  	_ =	shalt  }
0x83: {  	_ =	shalt  }
0x84: {  	_ =	shalt  }
0x85: {  	_ =	shalt  }
0x86: {  	_ =	shalt  }
0x87: {  	_ =	shalt  }
.Lfunc_end0:
.L_simem_size_0:
called_computation.1_lowered:
.L_overlay_start_0:
0x88: {  	s2 =	sld [smem:$0x3FD9]  }
0x89: {  	s3 =	sld [smem:$0x3FFE];
	_ =	sdelay $0x1  }
0x8a: {  	s1 =	srdreg.scid  }
0x8b: {  	s0 =	sand.u32 $0x1, s1  }
0x8c: {  	s17 =	sshll.u32 s0, $0xA;
	s2 =	sadd.s32 s3, s2  }
0x8d: {  	s2 =	sadd.s32 s2, s17  }
0x8e: {  	[smem:$0x3FC6] =	sst s2  }
0x8f: {  	_ = 	snop  }
0x90: {  	s2 =	sld [smem:$0x3FD0];
	(tm) =	ssettm $0x1  }
0x91: {  	s18 =	sld [smem:$0x3FFB];
	_ =	sdelay $0x3  }
0x92: {  	_ =	strace s18  }
0x93: {  	s3 =	sld [smem:$0x3FFC];
	_ =	sdelay $0x3  }
0x94: {  	_ =	strace s3  }
0x95: {  	s3 =	sld [smem:$0x3FFD];
	_ =	sdelay $0x3  }
0x96: {  	_ =	strace s3  }
0x97: {  	_ =	strace $0x8FFFFFFF  }
0x98: {  	s19 =	sld [smem:$0x3FDB];
	_ =	sdelay $0x1  }
0x99: {  	s4 =	simm.s32 $_scs_section_size  }
0x9a: {  	s5 =	simm.s32 $_size__tile_overlayer_lowered;
	s6 =	simm.s32 $_tile_overlayer_lowered  }
0x9b: {  	s22 =	simm.s32 $0x1BFF;
	s21 =	sshll.u32 s6, $0x1;
	s3 =	sadd.s32 s4, s19  }
0x9c: {  	s7 =	simm.s32 $0x0;
	s20 =	sshll.u32 s5, $0x1;
	s5 =	sadd.s32 s21, s3  }
0x9d: {  	[timem:s7], [sflag:s22] =	dma.local [hbm:s5], s20  }
0x9e: {  	_ =	swait.ge [sflag:s22], s20  }
0x9f: {  	s4 =	ssub.s32 $0x0, s20;
	[sflag:s22] =	ssyncset.done $0x0  }
0xa0: {  	[sflag:s22] =	ssyncadd.s32 s4;
	_ =	sdelay $0x1  }
0xa1: {  	s23 =	simm.s32 $0x1B8B  }
0xa2: {  	_ =	swait.ge [sflag:s23], $0x1  }
0xa3: {  	[sflag:s23] =	ssyncset.done $0x0  }
0xa4: {  	s25 =	simm.s32 $0x1B8E;
	s24 =	sld [smem:$0x3FFE];
	[sflag:s23] =	ssyncadd.s32 $0xFFFFFFFF  }
0xa5: {  	s26 =	simm.s32 $execute0_lowered;
	[smem:$0x3FD2] =	sst s25  }
0xa6: {  	s5 =	sshll.u32 s26, $0x1;
	_ =	strace $0x80000046;
	[dreg:$0x1] =	wrdreg $0xFFFFFFFF  }
0xa7: {  	s28 =	simm.s32 $_size_execute0_lowered;
	s3 =	sadd.s32 s3, s5;
	[dreg:$0x0] =	wrdreg $0x0  }
0xa8: {  	s5 =	sshll.u32 s28, $0x1;
	[dreg:$0x2] =	wrdreg s3  }
0xa9: {  	[dreg:$0x3] =	wrdreg s5  }
0xaa: {  	[dreg:$0x4] =	wrdreg $0xC0  }
0xab: {  	_ =	task [dreg:s7], $0x5FFFF  }
0xac: {  	[dreg:$0x1] =	wrdreg $0xFFFFFFFF  }
0xad: {  	[dreg:$0x0] =	wrdreg $0x60  }
0xae: {  	[dreg:$0x2] =	wrdreg s24  }
0xaf: {  	[dreg:$0x3] =	wrdreg s2  }
0xb0: {  	[dreg:$0x4] =	wrdreg $0x57800  }
0xb1: {  	[dreg:$0x5] =	wrdreg $0x9  }
0xb2: {  	_ =	task.clear_ibuf [dreg:s7], $0x6FFFF;
	_ =	strace $0x90000046  }
0xb3: {  	s29 =	simm.s32 $0x9;
	_ =	strace $0x80000048  }
0xb4: {  	_ =	swait.ge [sflag:s29], $0x1  }
0xb5: {  	[sflag:s29] =	ssyncadd.s32 $0xFFFFFFFF  }
0xb6: {  	_ =	strace $0x90000048  }
0xb7: {  	_ =	sfence  }
0xb8: {  	s30 =	sld [smem:$0x0];
	_ =	sdelay $0x2  }
0xb9: {  	s31 =	sshll.u32 s1, $0xD;
	s1 =	sshrl.u32 s1, $0x2  }
0xba: {  	s3 =	sand.u32 $0x4000, s31;
	s1 =	sadd.s32 s1, s30  }
0xbb: {  	s0 =	sor.u32 s3, s0;
	s1 =	sshll.u32 s1, $0x11  }
0xbc: {  	s0 =	sor.u32 s1, s0  }
0xbd: {  	s0 =	sadd.s32 $0x8F2B, s0  }
0xbe: {  	[sflag:s0] =	ssyncadd.remote.s32 $0x1  }
0xbf: {  	_ =	sfence.sel $0xFFFF  }
0xc0: {  	[dreg:$0x0] =	wrdreg $0xFFFFFFFF;
	(pc) =	sbr.abs _section_cstart, $3  }
0xc1: {  	[dreg:$0x1] =	wrdreg $0xFFFFFFFF  }
0xc2: {  	_ =	task.clear_ibuf [dreg:s7], $0x2FFFF;
	_ =	strace $0x9FFFFFFF  }
0xc3: {  	(tm) =	ssettm $0x7FFFFFFF  }
tec
execute0_lowered:
.L_overlay_start_1:
0x0: {  	(tag) =	ssettag $0x1  }
0x1: {  	s0 =	rddreg [dreg:$0x0]  }
0x2: {  	s2 =	rddreg [dreg:$0x2]  }
0x3: {  	s4 =	simm.s32 $0x0;
	s1 =	srdreg.scid;
	s8 =	stileid.u32  }
0x4: {  	s12 =	simm.s32 $0xC80;
	s13 =	simm.s32 $0x4B00;
	s14 =	simm.s32 $0x5  }
0x5: {  	s15 =	simm.s32 $0x1;
	s16 =	simm.s32 $0xC40;
	s17 =	simm.s32 $0x1900  }
0x6: {  	s18 =	simm.s32 $0x2580;
	s19 =	simm.s32 $0x3200;
	s20 =	simm.s32 $0x2  }
0x7: {  	s21 =	simm.s32 $0x3E80;
	s22 =	simm.s32 $0x3;
	s23 =	simm.s32 $0x4  }
0x8: {  	[smem:$0x7FF] =	sst s4;
	s1 =	sand.u32 $0x1, s1;
	s7 =	smul.u32 $0x62000, s8  }
0x9: {  	s5 =	sadd.s32 $0x800, s0;
	s6 =	sadd.s32 $0x126800, s0;
	s9 =	smul.u32 $0x18800, s8  }
0xa: {  	s29 =	smul.u32 $0x12600, s8;
	s3 =	ssub.s32 $0x2, s1;
	s1 =	sshll.u32 s1, $0x2  }
.Ltmp0:
0xb: {  	_ =	strace $0x80000047;
	[dreg:$0x5] =	wrdreg s1;
	(pc) =	sbr.rel .LBB2_1-.Ltmp0, $4  }
0xc: {  	s26 =	sshrl.u32 s3, $0x1;
	[dreg:$0x6] =	wrdreg s29;
	s30 =	sadd.s32 s9, s2  }
0xd: {  	[dreg:$0x4] =	wrdreg s9;
	s0 =	ssub.s32 s3, s26;
	s31 =	sshrl.u32 s30, $0x3  }
0xe: {  	s28 =	sshrl.u32 s7, $0x2;
	s0 =	smax.u32 s0, $0x1;
	[dreg:$0x8] =	wrdreg s31  }
0xf: {  	v0 =	vimm.f32 $0.0e+00;
	s1 =	simm.s32 $0x0;
	s10 =	sadd.s32 s28, s2;
	[dreg:$0x7] =	wrdreg s0  }
.LBB2_20:
0x10: {  	s1 =	rddreg [dreg:$0x9]  }
0x11: {  	s0 =	rddreg [dreg:$0x7];
	s1 =	sadd.s32 $0x1, s1  }
0x12: {  	p0 =	sne.s32 s1, s0  }
.Ltmp1:
0x13: {  	_ = 	snop;
	(pc) =	sbr.rel @!p0 .LBB2_21-.Ltmp1, $1  }
0x14: {  	_ =	sdelay $0x3  }
.LBB2_1:
0x15: {  	[dreg:$0x9] =	wrdreg s1;
	s0 =	simm.s32 $0x40;
	s1 =	simm.s32 $0x0  }
.LBB2_2:
0x16: {  	p0 =	sne.s32 s0, $0x30C0;
	[tilespmem:s1+$0x4B00] =	vst v0;
	s1 =	smov.u32 s0;
	s0 =	sadd.s32 $0x40, s0  }
.Ltmp2:
0x17: {  	(pc) =	sbr.rel @p0 .LBB2_2-.Ltmp2, $2  }
0x18: {  	_ =	sdelay $0x2  }
0x19: {  	s1 =	sshra.s32 s1, $0x2  }
.Ltmp3:
0x1a: {  	(pc) =	sbr.rel .LBB2_4-.Ltmp3, $2  }
0x1b: {  	_ =	sdelay $0x2  }
0x1c: {  	[tilespmem:s1+$0x4B00] =	vst v0;
	s1 =	simm.s32 $0x0  }
.LBB2_19:
0x1d: {  	s1 =	rddreg [dreg:$0xa]  }
0x1e: {  	s1 =	sadd.s32 $0x1, s1  }
0x1f: {  	p0 =	sne.s32 s1, $0x4  }
.Ltmp4:
0x20: {  	_ = 	snop;
	(pc) =	sbr.rel @!p0 .LBB2_20-.Ltmp4, $1  }
0x21: {  	_ =	sdelay $0x3  }
.LBB2_4:
0x22: {  	s0 =	rddreg [dreg:$0x5]  }
0x23: {  	s0 =	sadd.s32 s0, s1  }
0x24: {  	[dreg:$0xa] =	wrdreg s1;
	s1 =	smul.u32 $0x126000, s0  }
.Ltmp5:
0x25: {  	_ = 	snop;
	(pc) =	sbr.rel .LBB2_5-.Ltmp5, $4  }
0x26: {  	s3 =	rddreg [dreg:$0x6];
	s0 =	smul.u32 $0x498000, s0  }
0x27: {  	s26 =	rddreg [dreg:$0x4];
	s11 =	simm.s32 $0x0;
	s1 =	sadd.s32 s3, s1  }
0x28: {  	s0 =	sadd.s32 s26, s0;
	s3 =	sshrl.u32 s1, $0x3;
	s30 =	sadd.s32 $0xC40, s1  }
0x29: {  	s31 =	sadd.s32 $0x1880, s1;
	s28 =	sadd.s32 s6, s3;
	s29 =	sadd.s32 s5, s3  }
.LBB2_18:
0x2a: {  	_ =	swait.ge [sflag:s23], $0xC40  }
0x2b: {  	s1 =	sadd.s32 s25, s0;
	[sflag:s23] =	ssyncset.done $0x0  }
0x2c: {  	s3 =	stileid.u32;
	s11 =	sadd.s32 $0x1, s11;
	[sflag:s23] =	ssyncadd.s32 $0xFFFFF3C0  }
0x2d: {  	s1 =	sshrl.u32 s1, $0x3;
	s3 =	sshll.u32 s3, $0x6;
	[bflag:$0x0] =	sbarrier.arrive $0xFFFF  }
0x2e: {  	p0 =	sne.s32 s11, $0x3;
	s3 =	sor.u32 $0x1C05, s3;
	s7 =	rddreg [dreg:$0x1]  }
.Ltmp6:
0x2f: {  	s26 =	rddreg [dreg:$0x8];
	s1 =	sadd.s32 s7, s1;
	(pc) =	sbr.rel @!p0 .LBB2_19-.Ltmp6, $4  }
0x30: {  	[hbm:s1], [sflag:s3] =	dma.local [spmem:s26], $0x3100  }
0x31: {  	_ =	swait.ge [sflag:s14], $0x3100  }
0x32: {  	[sflag:s14] =	ssyncset.done $0x0  }
0x33: {  	[sflag:s14] =	ssyncadd.s32 $0xFFFFCF00  }
.LBB2_5:
0x34: {  	s1 =	simm.s32 $0x0  }
0x35: {  	[tilespmem:s1], [sflag:$0x1] =	stream.linear.gather [hbm4b:s28+s1], $0xC40, $0x38;
	[tilespmem:$0x1E080] =	vst v63  }
0x36: {  	_ = 	snop  }
0x37: {  	[tilespmem:s12], [sflag:$0x1] =	stream.linear.gather [hbm4b:s29+s1], $0xC40, $0x38;
	[tilespmem:$0x1E080] =	vst v63  }
0x38: {  	s26 =	sadd.s32 $0x0, s10  }
0x39: {  	[spmem:s26] =	stream.linear.scatter [tilespmem:s13], [sflag:$0x5], $0xC40, $0x38;
	[tilespmem:$0x1E080] =	vst v63  }
0x3a: {  	s1 =	simm.s32 $0x3100;
	_ =	swait.ge [sflag:s14], $0xC40  }
.LBB2_6:
0x3b: {  	s3 =	sshra.s32 s1, $0x2;
	[sflag:s14] =	ssyncset.done $0x0;
	p0 =	sne.s32 s1, $0x5EF00  }
.Ltmp7:
0x3c: {  	s3 =	sadd.s32 s3, s10;
	[sflag:s14] =	ssyncadd.s32 $0xFFFFF3C0;
	(pc) =	sbr.rel @p0 .LBB2_6-.Ltmp7, $3  }
0x3d: {  	[spmem:s3] =	stream.linear.scatter [tilespmem:s13], [sflag:$0x5], $0xC40, $0x38;
	[tilespmem:$0x1E080] =	vst v63  }
0x3e: {  	s1 =	sadd.s32 $0x3100, s1;
	_ =	sdelay $0x1  }
0x3f: {  	_ =	swait.ge [sflag:s14], $0xC40  }
0x40: {  	[sflag:s14] =	ssyncset.done $0x0;
	s25 =	smul.u32 $0x188000, s11  }
0x41: {  	[sflag:s14] =	ssyncadd.s32 $0xFFFFF3C0  }
0x42: {  	s7 =	simm.s32 $0x0;
	[bflag:$0x0] =	sbarrier.arrive $0xFFFF;
	v1 =	vmov s25  }
.LBB2_8:
0x43: {  	_ =	swait.ge [sflag:s15], $0xC40  }
0x44: {  	[sflag:s15] =	ssyncset.done $0x0  }
0x45: {  	[sflag:s15] =	ssyncadd.s32 $0xFFFFF3C0  }
0x46: {  	_ =	swait.ge [sflag:s15], $0xC40  }
0x47: {  	[sflag:s15] =	ssyncset.done $0x0  }
0x48: {  	s1 =	simm.s32 $0x40;
	[sflag:s15] =	ssyncadd.s32 $0xFFFFF3C0  }
0x49: {  	v2 =	vld [tilespmem:s1+$0x30]  }
0x4a: {  	v3 =	vld [tilespmem:s1+$0xFFFFFFD0]  }
0x4b: {  	v4 =	vld [tilespmem:s1+$0xFFFFFFE0]  }
0x4c: {  	v6 =	vld [tilespmem:s1+$0x0]  }
0x4d: {  	v7 =	vld [tilespmem:s1+$0x10]  }
0x4e: {  	v10 =	vld [tilespmem:s1+$0x20]  }
0x4f: {  	v11 =	vld [tilespmem:s1+$0xFFFFFFC0];
	_ =	sdelay $0x1  }
0x50: {  	v8 =	vand.u32 $0xFFF, v2;
	v9 =	vand.u32 $0xFFF, v3  }
0x51: {  	v2 =	vsub.s32 v2, v1;
	v12 =	vand.u32 $0xFFF, v4;
	v3 =	vsub.s32 v3, v1  }
0x52: {  	v5 =	vld [tilespmem:s1+$0xFFFFFFF0];
	v4 =	vsub.s32 v4, v1;
	v13 =	vand.u32 $0xFFF, v6;
	v14 =	vand.u32 $0xFFF, v7  }
0x53: {  	s24 =	simm.s32 $0xC0;
	v6 =	vsub.s32 v6, v1;
	v16 =	vand.u32 $0xFFF, v10;
	v18 =	vsub.s32 v11, v1  }
0x54: {  	v17 =	vld [tilespmem:s24+$0xFFFFFFD0];
	v11 =	vand.u32 $0xFFF, v11;
	v7 =	vsub.s32 v7, v1;
	v10 =	vsub.s32 v10, v1  }
0x55: {  	v15 =	vld [tilespmem:s24+$0x30];
	v8 =	vor.u32 $0x188000, v8;
	v9 =	vor.u32 $0x188000, v9;
	v12 =	vor.u32 $0x188000, v12  }
0x56: {  	v19 =	vld [tilespmem:s24+$0xFFFFFFE0];
	v13 =	vor.u32 $0x188000, v13;
	v14 =	vor.u32 $0x188000, v14;
	v16 =	vor.u32 $0x188000, v16  }
0x57: {  	v11 =	vor.u32 $0x188000, v11;
	v2 =	vmin.u32 v2, v8;
	v8 =	vand.u32 $0xFFF, v5  }
0x58: {  	s8 =	simm.s32 $0x1940;
	v5 =	vsub.s32 v5, v1;
	v9 =	vmin.u32 v3, v9;
	v4 =	vmin.u32 v4, v12  }
0x59: {  	v20 =	vld [tilespmem:s24+$0xFFFFFFF0];
	v63 =	vmin.u32 v7, v14;
	v7 =	vand.u32 $0xFFF, v17;
	v8 =	vor.u32 $0x188000, v8;
	[tilespmem:s8+$0x30] =	vst v2  }
0x5a: {  	v3 =	vld [tilespmem:s24+$0x0];
	v2 =	vmin.u32 v18, v11;
	v11 =	vmin.u32 v6, v13;
	v6 =	vmin.u32 v10, v16;
	[tilespmem:s8+$0xFFFFFFE0] =	vst v4  }
0x5b: {  	v4 =	vand.u32 $0xFFF, v19;
	[tilespmem:s8+$0xFFFFFFC0] =	vst v2;
	v8 =	vmin.u32 v5, v8;
	v2 =	vld [tilespmem:s24+$0x10];
	v5 =	vand.u32 $0xFFF, v15  }
0x5c: {  	[tilespmem:s8+$0xFFFFFFD0] =	vst v9;
	v10 =	vor.u32 $0x188000, v5;
	v5 =	vor.u32 $0x188000, v7;
	v7 =	vor.u32 $0x188000, v4;
	v4 =	vld [tilespmem:s24+$0x20]  }
0x5d: {  	v9 =	vsub.s32 v15, v1;
	v13 =	vld [tilespmem:s24+$0xFFFFFFC0];
	[tilespmem:s8+$0x10] =	vst v63  }
0x5e: {  	s9 =	simm.s32 $0x19C0;
	v12 =	vand.u32 $0xFFF, v20;
	[tilespmem:s8+$0xFFFFFFF0] =	vst v8;
	v8 =	vsub.s32 v17, v1;
	v9 =	vmin.u32 v9, v10  }
0x5f: {  	v10 =	vsub.s32 v19, v1;
	[tilespmem:s9+$0x30] =	vst v9;
	v9 =	vor.u32 $0x188000, v12;
	v14 =	vand.u32 $0xFFF, v3  }
0x60: {  	s26 =	simm.s32 $0x8;
	s1 =	simm.s32 $0x140;
	[tilespmem:s8+$0x0] =	vst v11;
	v12 =	vsub.s32 v20, v1;
	v11 =	vor.u32 $0x188000, v14;
	v14 =	vand.u32 $0xFFF, v2  }
.LBB2_9:
0x61: {  	v15 =	vld [tilespmem:s1+$0x30];
	s26 =	sadd.s32 $0x8, s26;
	v16 =	vsub.s32 v3, v1;
	v14 =	vor.u32 $0x188000, v14;
	v3 =	vand.u32 $0xFFF, v4;
	[tilespmem:s8+$0x20] =	vst v6;
	s8 =	smov.u32 s9  }
0x62: {  	v17 =	vld [tilespmem:s1+$0xFFFFFFD0];
	p0 =	slt.u32 s26, $0xB8;
	v6 =	vsub.s32 v13, v1;
	v13 =	vand.u32 $0xFFF, v13;
	v18 =	vor.u32 $0x188000, v3  }
0x63: {  	v2 =	vsub.s32 v2, v1;
	v4 =	vsub.s32 v4, v1;
	v19 =	vld [tilespmem:s1+$0xFFFFFFE0];
	v3 =	vor.u32 $0x188000, v13  }
0x64: {  	v5 =	vmin.u32 v8, v5;
	v7 =	vmin.u32 v10, v7;
	v20 =	vld [tilespmem:s1+$0xFFFFFFF0];
	v6 =	vmin.u32 v6, v3  }
0x65: {  	v8 =	vmin.u32 v12, v9;
	v11 =	vmin.u32 v16, v11;
	v16 =	vmin.u32 v2, v14;
	v3 =	vld [tilespmem:s1+$0x0];
	[tilespmem:s9+$0xFFFFFFC0] =	vst v6  }
0x66: {  	v6 =	vmin.u32 v4, v18;
	v2 =	vld [tilespmem:s1+$0x10];
	v9 =	vand.u32 $0xFFF, v15;
	[tilespmem:s9+$0xFFFFFFD0] =	vst v5  }
.Ltmp8:
0x67: {  	v10 =	vsub.s32 v15, v1;
	v5 =	vand.u32 $0xFFF, v17;
	v4 =	vld [tilespmem:s1+$0x20];
	v9 =	vor.u32 $0x188000, v9;
	[tilespmem:s9+$0xFFFFFFE0] =	vst v7;
	(pc) =	sbr.rel @p0 .LBB2_9-.Ltmp8, $4  }
0x68: {  	s9 =	sadd.s32 $0x80, s9;
	v13 =	vld [tilespmem:s1+$0xFFFFFFC0];
	v5 =	vor.u32 $0x188000, v5;
	v7 =	vand.u32 $0xFFF, v19;
	v9 =	vmin.u32 v10, v9;
	[tilespmem:s8+$0xFFFFFFF0] =	vst v8  }
0x69: {  	s3 =	simm.s32 $0x0;
	v8 =	vsub.s32 v17, v1;
	v7 =	vor.u32 $0x188000, v7;
	v12 =	vand.u32 $0xFFF, v20;
	[tilespmem:s9+$0x30] =	vst v9  }
0x6a: {  	v10 =	vsub.s32 v19, v1;
	v9 =	vor.u32 $0x188000, v12;
	v14 =	vand.u32 $0xFFF, v3;
	[tilespmem:s8+$0x0] =	vst v11  }
0x6b: {  	s1 =	sadd.s32 $0x80, s1;
	v12 =	vsub.s32 v20, v1;
	v11 =	vor.u32 $0x188000, v14;
	v14 =	vand.u32 $0xFFF, v2;
	[tilespmem:s8+$0x10] =	vst v16  }
0x6c: {  	[tilespmem:s8+$0x20] =	vst v6;
	v5 =	vmin.u32 v8, v5  }
0x6d: {  	v59 =	vmin.u32 v10, v7;
	v3 =	vsub.s32 v3, v1;
	[tilespmem:s9+$0xFFFFFFD0] =	vst v5  }
0x6e: {  	v60 =	vor.u32 $0x188000, v14;
	v61 =	vmin.u32 v12, v9;
	v62 =	vand.u32 $0xFFF, v4;
	[tilespmem:s9+$0xFFFFFFE0] =	vst v59  }
0x6f: {  	v2 =	vsub.s32 v2, v1;
	v63 =	vsub.s32 v4, v1;
	v3 =	vmin.u32 v3, v11;
	[tilespmem:s9+$0xFFFFFFF0] =	vst v61  }
0x70: {  	v15 =	vand.u32 $0xFFF, v13;
	v6 =	vor.u32 $0x188000, v62;
	v2 =	vmin.u32 v2, v60;
	[tilespmem:s9+$0x0] =	vst v3  }
0x71: {  	v57 =	vsub.s32 v13, v1;
	v15 =	vor.u32 $0x188000, v15;
	v3 =	vmin.u32 v63, v6;
	[tilespmem:s9+$0x10] =	vst v2  }
0x72: {  	v58 =	vmin.u32 v57, v15;
	[tilespmem:s9+$0x20] =	vst v3  }
0x73: {  	[tilespmem:s9+$0xFFFFFFC0] =	vst v58  }
.LBB2_11:
0x74: {  	s1 =	sshra.s32 s3, $0x2  }
0x75: {  	v2 =	vld [tilespmem:s1+$0xC00];
	_ =	sdelay $0x2  }
0x76: {  	p0 =	sne.s32 s3, $0xC0  }
.Ltmp9:
0x77: {  	_ = 	snop;
	(pc) =	sbr.rel @p0 .LBB2_11-.Ltmp9, $4  }
0x78: {  	v3 =	vand.u32 $0xFFF, v2  }
0x79: {  	v2 =	vsub.s32 v2, v1;
	v3 =	vor.u32 $0x188000, v3  }
0x7a: {  	v2 =	vmin.u32 v2, v3  }
0x7b: {  	s3 =	sadd.s32 $0x40, s3;
	[tilespmem:s1+$0x2500] =	vst v2  }
0x7c: {  	[spmem:s2] =	stream.indirect.scatter.add.f32 [tilespmem:s12], [sflag:$0x3], $0x1, s17, s16, $0xb8;
	[tilespmem:$0x1E080] =	vst v63  }
0x7d: {  	p0 =	seq.s32 s7, $0x0;
	s8 =	smul.u32 $0x1880, s7  }
0x7e: {  	s1 =	simm.s32 @!p0 $0x4  }
0x7f: {  	_ =	swait.ge @!p0 [sflag:s1], $0xC40;
	s3 =	sadd.s32 s8, s30  }
0x80: {  	[sflag:s1] =	ssyncset.done @!p0 $0x0;
	s3 =	sshrl.u32 s3, $0x3  }
0x81: {  	[sflag:s1] =	ssyncadd.s32 @!p0 $0xFFFFF3C0;
	s26 =	sadd.s32 s6, s3  }
0x82: {  	[tilespmem:s18], [sflag:$0x2] =	stream.linear.gather [hbm4b:s26+s4], $0xC40, $0x38;
	[tilespmem:$0x1E080] =	vst v63  }
0x83: {  	s3 =	sadd.s32 s5, s3  }
0x84: {  	[tilespmem:s19], [sflag:$0x2] =	stream.linear.gather [hbm4b:s3+s4], $0xC40, $0x38;
	[tilespmem:$0x1E080] =	vst v63  }
0x85: {  	_ =	swait.ge [sflag:s20], $0xC40  }
0x86: {  	[sflag:s20] =	ssyncset.done $0x0  }
0x87: {  	[sflag:s20] =	ssyncadd.s32 $0xFFFFF3C0  }
0x88: {  	_ =	swait.ge [sflag:s20], $0xC40  }
0x89: {  	[sflag:s20] =	ssyncset.done $0x0  }
0x8a: {  	s9 =	simm.s32 $0x25C0;
	[sflag:s20] =	ssyncadd.s32 $0xFFFFF3C0  }
0x8b: {  	v2 =	vld [tilespmem:s9+$0x30]  }
0x8c: {  	v3 =	vld [tilespmem:s9+$0xFFFFFFD0]  }
0x8d: {  	v4 =	vld [tilespmem:s9+$0xFFFFFFE0]  }
0x8e: {  	v6 =	vld [tilespmem:s9+$0x0]  }
0x8f: {  	v7 =	vld [tilespmem:s9+$0x10]  }
0x90: {  	v10 =	vld [tilespmem:s9+$0x20]  }
0x91: {  	v11 =	vld [tilespmem:s9+$0xFFFFFFC0];
	_ =	sdelay $0x1  }
0x92: {  	v8 =	vand.u32 $0xFFF, v2;
	v9 =	vand.u32 $0xFFF, v3  }
0x93: {  	v2 =	vsub.s32 v2, v1;
	v12 =	vand.u32 $0xFFF, v4;
	v3 =	vsub.s32 v3, v1  }
0x94: {  	v5 =	vld [tilespmem:s9+$0xFFFFFFF0];
	v4 =	vsub.s32 v4, v1;
	v13 =	vand.u32 $0xFFF, v6;
	v14 =	vand.u32 $0xFFF, v7  }
0x95: {  	s24 =	simm.s32 $0x2640;
	v6 =	vsub.s32 v6, v1;
	v16 =	vand.u32 $0xFFF, v10;
	v18 =	vsub.s32 v11, v1  }
0x96: {  	v17 =	vld [tilespmem:s24+$0xFFFFFFD0];
	v11 =	vand.u32 $0xFFF, v11;
	v7 =	vsub.s32 v7, v1;
	v10 =	vsub.s32 v10, v1  }
0x97: {  	v15 =	vld [tilespmem:s24+$0x30];
	v8 =	vor.u32 $0x188000, v8;
	v9 =	vor.u32 $0x188000, v9;
	v12 =	vor.u32 $0x188000, v12  }
0x98: {  	v19 =	vld [tilespmem:s24+$0xFFFFFFE0];
	v13 =	vor.u32 $0x188000, v13;
	v14 =	vor.u32 $0x188000, v14;
	v16 =	vor.u32 $0x188000, v16  }
0x99: {  	v11 =	vor.u32 $0x188000, v11;
	v2 =	vmin.u32 v2, v8;
	v8 =	vand.u32 $0xFFF, v5  }
0x9a: {  	s9 =	simm.s32 $0x3EC0;
	v5 =	vsub.s32 v5, v1;
	v9 =	vmin.u32 v3, v9;
	v4 =	vmin.u32 v4, v12  }
0x9b: {  	v20 =	vld [tilespmem:s24+$0xFFFFFFF0];
	v63 =	vmin.u32 v7, v14;
	v7 =	vand.u32 $0xFFF, v17;
	v8 =	vor.u32 $0x188000, v8;
	[tilespmem:s9+$0x30] =	vst v2  }
0x9c: {  	v3 =	vld [tilespmem:s24+$0x0];
	v2 =	vmin.u32 v18, v11;
	v11 =	vmin.u32 v6, v13;
	v6 =	vmin.u32 v10, v16;
	[tilespmem:s9+$0xFFFFFFE0] =	vst v4  }
0x9d: {  	v4 =	vand.u32 $0xFFF, v19;
	[tilespmem:s9+$0xFFFFFFC0] =	vst v2;
	v8 =	vmin.u32 v5, v8;
	v2 =	vld [tilespmem:s24+$0x10];
	v5 =	vand.u32 $0xFFF, v15  }
0x9e: {  	[tilespmem:s9+$0xFFFFFFD0] =	vst v9;
	v10 =	vor.u32 $0x188000, v5;
	v5 =	vor.u32 $0x188000, v7;
	v7 =	vor.u32 $0x188000, v4;
	v4 =	vld [tilespmem:s24+$0x20]  }
0x9f: {  	v9 =	vsub.s32 v15, v1;
	v13 =	vld [tilespmem:s24+$0xFFFFFFC0];
	[tilespmem:s9+$0x10] =	vst v63  }
0xa0: {  	s26 =	simm.s32 $0x3F40;
	v12 =	vand.u32 $0xFFF, v20;
	[tilespmem:s9+$0xFFFFFFF0] =	vst v8;
	v8 =	vsub.s32 v17, v1;
	v9 =	vmin.u32 v9, v10  }
0xa1: {  	v10 =	vsub.s32 v19, v1;
	[tilespmem:s26+$0x30] =	vst v9;
	v9 =	vor.u32 $0x188000, v12;
	v14 =	vand.u32 $0xFFF, v3  }
0xa2: {  	s1 =	simm.s32 $0x8;
	s3 =	simm.s32 $0x26C0;
	[tilespmem:s9+$0x0] =	vst v11;
	v12 =	vsub.s32 v20, v1;
	v11 =	vor.u32 $0x188000, v14;
	v14 =	vand.u32 $0xFFF, v2  }
.LBB2_13:
0xa3: {  	v15 =	vld [tilespmem:s3+$0x30];
	s1 =	sadd.s32 $0x8, s1;
	v16 =	vsub.s32 v3, v1;
	v14 =	vor.u32 $0x188000, v14;
	v3 =	vand.u32 $0xFFF, v4;
	[tilespmem:s9+$0x20] =	vst v6;
	s9 =	smov.u32 s26  }
0xa4: {  	v17 =	vld [tilespmem:s3+$0xFFFFFFD0];
	p0 =	slt.u32 s1, $0xB8;
	v6 =	vsub.s32 v13, v1;
	v13 =	vand.u32 $0xFFF, v13;
	v18 =	vor.u32 $0x188000, v3  }
0xa5: {  	v2 =	vsub.s32 v2, v1;
	v4 =	vsub.s32 v4, v1;
	v19 =	vld [tilespmem:s3+$0xFFFFFFE0];
	v3 =	vor.u32 $0x188000, v13  }
0xa6: {  	v5 =	vmin.u32 v8, v5;
	v7 =	vmin.u32 v10, v7;
	v20 =	vld [tilespmem:s3+$0xFFFFFFF0];
	v6 =	vmin.u32 v6, v3  }
0xa7: {  	v8 =	vmin.u32 v12, v9;
	v11 =	vmin.u32 v16, v11;
	v16 =	vmin.u32 v2, v14;
	v3 =	vld [tilespmem:s3+$0x0];
	[tilespmem:s26+$0xFFFFFFC0] =	vst v6  }
0xa8: {  	v6 =	vmin.u32 v4, v18;
	v2 =	vld [tilespmem:s3+$0x10];
	v9 =	vand.u32 $0xFFF, v15;
	[tilespmem:s26+$0xFFFFFFD0] =	vst v5  }
.Ltmp10:
0xa9: {  	v10 =	vsub.s32 v15, v1;
	v5 =	vand.u32 $0xFFF, v17;
	v4 =	vld [tilespmem:s3+$0x20];
	v9 =	vor.u32 $0x188000, v9;
	[tilespmem:s26+$0xFFFFFFE0] =	vst v7;
	(pc) =	sbr.rel @p0 .LBB2_13-.Ltmp10, $4  }
0xaa: {  	s26 =	sadd.s32 $0x80, s26;
	v13 =	vld [tilespmem:s3+$0xFFFFFFC0];
	v5 =	vor.u32 $0x188000, v5;
	v7 =	vand.u32 $0xFFF, v19;
	v9 =	vmin.u32 v10, v9;
	[tilespmem:s9+$0xFFFFFFF0] =	vst v8  }
0xab: {  	s24 =	simm.s32 $0x0;
	v8 =	vsub.s32 v17, v1;
	v7 =	vor.u32 $0x188000, v7;
	v12 =	vand.u32 $0xFFF, v20;
	[tilespmem:s26+$0x30] =	vst v9  }
0xac: {  	v10 =	vsub.s32 v19, v1;
	v9 =	vor.u32 $0x188000, v12;
	v14 =	vand.u32 $0xFFF, v3;
	[tilespmem:s9+$0x0] =	vst v11  }
0xad: {  	s3 =	sadd.s32 $0x80, s3;
	v12 =	vsub.s32 v20, v1;
	v11 =	vor.u32 $0x188000, v14;
	v14 =	vand.u32 $0xFFF, v2;
	[tilespmem:s9+$0x10] =	vst v16  }
0xae: {  	[tilespmem:s9+$0x20] =	vst v6;
	v5 =	vmin.u32 v8, v5  }
0xaf: {  	v59 =	vmin.u32 v10, v7;
	v3 =	vsub.s32 v3, v1;
	[tilespmem:s26+$0xFFFFFFD0] =	vst v5  }
0xb0: {  	v60 =	vor.u32 $0x188000, v14;
	v61 =	vmin.u32 v12, v9;
	v62 =	vand.u32 $0xFFF, v4;
	[tilespmem:s26+$0xFFFFFFE0] =	vst v59  }
0xb1: {  	v2 =	vsub.s32 v2, v1;
	v63 =	vsub.s32 v4, v1;
	v3 =	vmin.u32 v3, v11;
	[tilespmem:s26+$0xFFFFFFF0] =	vst v61  }
0xb2: {  	v15 =	vand.u32 $0xFFF, v13;
	v6 =	vor.u32 $0x188000, v62;
	v2 =	vmin.u32 v2, v60;
	[tilespmem:s26+$0x0] =	vst v3  }
0xb3: {  	v57 =	vsub.s32 v13, v1;
	v15 =	vor.u32 $0x188000, v15;
	v3 =	vmin.u32 v63, v6;
	[tilespmem:s26+$0x10] =	vst v2  }
0xb4: {  	v58 =	vmin.u32 v57, v15;
	[tilespmem:s26+$0x20] =	vst v3  }
0xb5: {  	[tilespmem:s26+$0xFFFFFFC0] =	vst v58  }
.LBB2_15:
0xb6: {  	s1 =	sshra.s32 s24, $0x2  }
0xb7: {  	v2 =	vld [tilespmem:s1+$0x3180];
	_ =	sdelay $0x2  }
0xb8: {  	p0 =	sne.s32 s24, $0xC0  }
.Ltmp11:
0xb9: {  	_ = 	snop;
	(pc) =	sbr.rel @p0 .LBB2_15-.Ltmp11, $4  }
0xba: {  	v3 =	vand.u32 $0xFFF, v2  }
0xbb: {  	v2 =	vsub.s32 v2, v1;
	v3 =	vor.u32 $0x188000, v3  }
0xbc: {  	v2 =	vmin.u32 v2, v3  }
0xbd: {  	s24 =	sadd.s32 $0x40, s24;
	[tilespmem:s1+$0x4A80] =	vst v2  }
0xbe: {  	p0 =	seq.s32 s7, $0xB  }
.Ltmp12:
0xbf: {  	_ = 	snop;
	(pc) =	sbr.rel @p0 .LBB2_18-.Ltmp12, $4  }
0xc0: {  	[spmem:s2] =	stream.indirect.scatter.add.f32 [tilespmem:s19], [sflag:$0x4], $0x1, s21, s16, $0xb8;
	[tilespmem:$0x1E080] =	vst v63  }
0xc1: {  	_ =	swait.ge [sflag:s22], $0xC40  }
0xc2: {  	[sflag:s22] =	ssyncset.done $0x0  }
0xc3: {  	[sflag:s22] =	ssyncadd.s32 $0xFFFFF3C0  }
0xc4: {  	s1 =	sadd.s32 s8, s31  }
.Ltmp13:
0xc5: {  	s1 =	sshrl.u32 s1, $0x3;
	(pc) =	sbr.rel .LBB2_8-.Ltmp13, $4  }
0xc6: {  	s3 =	sadd.s32 s6, s1  }
0xc7: {  	[tilespmem:s4], [sflag:$0x1] =	stream.linear.gather [hbm4b:s3+s4], $0xC40, $0x38;
	[tilespmem:$0x1E080] =	vst v63  }
0xc8: {  	s7 =	sadd.s32 $0x1, s7;
	s1 =	sadd.s32 s5, s1  }
0xc9: {  	[tilespmem:s12], [sflag:$0x1] =	stream.linear.gather [hbm4b:s1+s4], $0xC40, $0x38;
	[tilespmem:$0x1E080] =	vst v63  }
.LBB2_21:
0xca: {  	_ =	sfence.sel $0x180000  }
0xcb: {  	[bflag:$0x0] =	sbarrier.arrive $0xFFFF  }
0xcc: {  	_ =	strace $0x90000047  }
0xcd: {  	s0 =	stileid.u32;
	[bflag:$0x2] =	sbarrier.arrive $0xFFFF  }
0xce: {  	p0 =	sne.s32 s0, $0x0;
	s0 =	rddreg [dreg:$0x3]  }
0xcf: {  	s0 =	sadd.s32 @!p0 $0x100000, s0  }
0xd0: {  	[sflag:s0] =	ssyncadd.tile.s32 @!p0 $0x1;
	_ =	shalt  }
.Lfunc_end2:
_tile_overlayer_lowered:
.L_overlay_start_2:
0xd1: {  	(tag) =	ssettag $0x2  }
0xd2: {  	s0 =	rddreg [dreg:$0x0];
	s2 =	stileid.u32  }
0xd3: {  	s1 =	rddreg [dreg:$0x1];
	p0 =	sne.s32 s2, $0x0  }
0xd4: {  	s3 =	rddreg [dreg:$0x2];
	[bflag:$0x3] =	sbarrier.arrive $0xFFFF;
	s2 =	simm.s32 @!p0 $0x1C05  }
0xd5: {  	[timem:s3], [sflag:s2] =	dma.local @!p0 [hbm:s0], s1  }
0xd6: {  	s0 =	simm.s32 @!p0 $0x5  }
0xd7: {  	_ =	swait.ge @!p0 [sflag:s0], s1  }
0xd8: {  	s1 =	ssub.s32 @!p0 $0x0, s1;
	[sflag:s0] =	ssyncset.done @!p0 $0x0  }
0xd9: {  	[sflag:s0] =	ssyncadd.s32 @!p0 s1  }
0xda: {  	[bflag:$0x3] =	sbarrier.arrive $0xFFFF  }
0xdb: {  	_ =	shalt  }

// kernel: sparse-core-data-format-call.cloned.1.call-start
scs
called_computation_lowered:
.L_overlay_start_0:
0x0: {  	s2 =	sld [smem:$0x3FD9]  }
0x1: {  	s3 =	sld [smem:$0x3FFE];
	_ =	sdelay $0x1  }
0x2: {  	s1 =	srdreg.scid  }
0x3: {  	s0 =	sand.u32 $0x1, s1  }
0x4: {  	s18 =	sshll.u32 s0, $0xA;
	s2 =	sadd.s32 s3, s2  }
0x5: {  	s2 =	sadd.s32 s2, s18  }
0x6: {  	[smem:$0x3FC6] =	sst s2  }
0x7: {  	_ = 	snop  }
0x8: {  	s2 =	sld [smem:$0x3FD0];
	(tm) =	ssettm $0x1  }
0x9: {  	s19 =	sld [smem:$0x3FFB];
	_ =	sdelay $0x3  }
0xa: {  	_ =	strace s19  }
0xb: {  	s3 =	sld [smem:$0x3FFC];
	_ =	sdelay $0x3  }
0xc: {  	_ =	strace s3  }
0xd: {  	s3 =	sld [smem:$0x3FFD];
	_ =	sdelay $0x3  }
0xe: {  	_ =	strace s3  }
0xf: {  	_ =	strace $0x8FFFFFFF  }
0x10: {  	s20 =	sld [smem:$0x3FDB];
	_ =	sdelay $0x1  }
0x11: {  	s4 =	simm.s32 $_scs_section_size  }
0x12: {  	s5 =	simm.s32 $_size__tile_overlayer_lowered;
	s6 =	simm.s32 $_tile_overlayer_lowered  }
0x13: {  	s23 =	simm.s32 $0x1BFF;
	s22 =	sshll.u32 s6, $0x1;
	s3 =	sadd.s32 s4, s20  }
0x14: {  	s7 =	simm.s32 $0x0;
	s21 =	sshll.u32 s5, $0x1;
	s5 =	sadd.s32 s22, s3  }
0x15: {  	[timem:s7], [sflag:s23] =	dma.local [hbm:s5], s21  }
0x16: {  	_ =	swait.ge [sflag:s23], s21  }
0x17: {  	s4 =	ssub.s32 $0x0, s21;
	[sflag:s23] =	ssyncset.done $0x0  }
0x18: {  	[sflag:s23] =	ssyncadd.s32 s4;
	_ =	sdelay $0x1  }
0x19: {  	s24 =	simm.s32 $0x1B8B  }
0x1a: {  	_ =	swait.ge [sflag:s24], $0x1  }
0x1b: {  	[sflag:s24] =	ssyncset.done $0x0  }
0x1c: {  	s26 =	simm.s32 $0x1B8E;
	s25 =	sld [smem:$0x3FFE];
	[sflag:s24] =	ssyncadd.s32 $0xFFFFFFFF  }
0x1d: {  	s27 =	simm.s32 $execute0_lowered;
	[smem:$0x3FD2] =	sst s26  }
0x1e: {  	s5 =	sshll.u32 s27, $0x1;
	_ =	strace $0x80000049;
	[dreg:$0x1] =	wrdreg $0xFFFFFFFF  }
0x1f: {  	s28 =	simm.s32 $_size_execute0_lowered;
	s3 =	sadd.s32 s3, s5;
	[dreg:$0x0] =	wrdreg $0x0  }
0x20: {  	s5 =	sshll.u32 s28, $0x1;
	[dreg:$0x2] =	wrdreg s3  }
0x21: {  	[dreg:$0x3] =	wrdreg s5  }
0x22: {  	[dreg:$0x4] =	wrdreg $0xC0  }
0x23: {  	_ =	task [dreg:s7], $0x5FFFF  }
0x24: {  	[dreg:$0x1] =	wrdreg $0xFFFFFFFF  }
0x25: {  	[dreg:$0x0] =	wrdreg $0x60  }
0x26: {  	[dreg:$0x2] =	wrdreg s25  }
0x27: {  	[dreg:$0x3] =	wrdreg s2  }
0x28: {  	[dreg:$0x4] =	wrdreg $0x9  }
0x29: {  	_ =	task.clear_ibuf [dreg:s7], $0x5FFFF;
	_ =	strace $0x90000049  }
0x2a: {  	s29 =	simm.s32 $0x9;
	_ =	strace $0x8000004B  }
0x2b: {  	_ =	swait.ge [sflag:s29], $0x1  }
0x2c: {  	[sflag:s29] =	ssyncadd.s32 $0xFFFFFFFF  }
0x2d: {  	_ =	strace $0x9000004B  }
0x2e: {  	_ =	sfence  }
0x2f: {  	s30 =	sld [smem:$0x0];
	_ =	sdelay $0x2  }
0x30: {  	s31 =	sshll.u32 s1, $0xD;
	s1 =	sshrl.u32 s1, $0x2  }
0x31: {  	s3 =	sand.u32 $0x4000, s31;
	s1 =	sadd.s32 s1, s30  }
0x32: {  	s0 =	sor.u32 s3, s0;
	s1 =	sshll.u32 s1, $0x11  }
0x33: {  	s0 =	sor.u32 s1, s0  }
0x34: {  	s0 =	sadd.s32 $0x8F2B, s0  }
0x35: {  	[sflag:s0] =	ssyncadd.remote.s32 $0x1  }
0x36: {  	_ =	sfence.sel $0xFFFF  }
0x37: {  	[dreg:$0x0] =	wrdreg $0xFFFFFFFF;
	(pc) =	sbr.abs _section_cstart, $3  }
0x38: {  	[dreg:$0x1] =	wrdreg $0xFFFFFFFF  }
0x39: {  	_ =	task.clear_ibuf [dreg:s7], $0x2FFFF;
	_ =	strace $0x9FFFFFFF  }
0x3a: {  	(tm) =	ssettm $0x7FFFFFFF  }
0x3b: {  	_ =	shalt  }
tec
execute0_lowered:
.L_overlay_start_1:
0x0: {  	(tag) =	ssettag $0x1  }
0x1: {  	s0 =	rddreg [dreg:$0x0]  }
0x2: {  	s1 =	srdreg.scid;
	_ =	strace $0x8000004A;
	s2 =	stileid.u32  }
0x3: {  	s30 =	simm.s32 $0x1;
	s31 =	simm.s32 $0x2;
	s15 =	simm.s32 $0x0  }
0x4: {  	s16 =	simm.s32 $0x0;
	s17 =	simm.s32 $0x0;
	s8 =	simm.s32 $0x0  }
0x5: {  	s10 =	simm.s32 $0x0;
	s12 =	simm.s32 $0x0;
	s11 =	simm.s32 $0x0  }
.Ltmp0:
0x6: {  	s9 =	simm.s32 $0x0;
	s29 =	sshll.u32 s1, $0x4;
	(pc) =	sbr.rel .LBB1_1-.Ltmp0, $4  }
0x7: {  	s6 =	sadd.s32 $0x800, s0;
	[sflag:s30] =	ssyncpa.u1 $0x0;
	s0 =	sand.u32 $0x10, s29  }
0x8: {  	s7 =	sand.u32 $0x7, s2;
	[dreg:$0x3] =	wrdreg s6;
	s0 =	sor.u32 s2, s0  }
0x9: {  	[sflag:s31] =	ssyncpa.u1 $0x0;
	[dreg:$0x4] =	wrdreg s7;
	s22 =	sshrl.u32 s0, $0x3  }
0xa: {  	s14 =	smov.u32 s7;
	s13 =	smov.u32 s22;
	[dreg:$0x5] =	wrdreg s22  }
.LBB1_9:
0xb: {  	p0 =	sgt.s32 s8, $0x80;
	s3 =	smul.u32 $0xA8000, s12  }
0xc: {  	s0 =	smov.u32 s8;
	s1 =	sshrl.u32 s8, $0x5;
	s27 =	smul.u32 $0xC00, s10  }
0xd: {  	s4 =	sshrl.u32 s8, $0x3;
	s5 =	rddreg [dreg:$0x1];
	s0 =	simm.s32 @!p0 $0x80  }
0xe: {  	s28 =	sand.u32 $0x7, s8;
	s1 =	sand.u32 $0xFFFFFC, s1;
	s0 =	sadd.s32 s19, s0  }
0xf: {  	s29 =	rddreg [dreg:$0x6];
	s26 =	smulhi.u32 $0x2AAAAAB, s1;
	s2 =	sadd.s32 $0xFFFFFF80, s0  }
0x10: {  	s6 =	rddreg [dreg:$0x3];
	s0 =	ssub.s32 $0x100, s0;
	p0 =	sgt.s32 s2, $0x7F  }
0x11: {  	s7 =	rddreg [dreg:$0x4];
	s2 =	smul.u32 $0x60, s26;
	s0 =	simm.s32 @p0 $0x0  }
0x12: {  	s31 =	simm.s32 $0x800;
	s22 =	rddreg [dreg:$0x5];
	s0 =	smul.u32 s0, s18  }
0x13: {  	s4 =	sand.u32 $0xF, s4;
	s3 =	sadd.s32 s5, s3;
	s1 =	ssub.s32 s1, s2  }
0x14: {  	s2 =	sadd.s32 s27, s3;
	s3 =	sshll.u32 s28, $0x12;
	s0 =	smul.u32 $0x60, s0  }
0x15: {  	s1 =	sshll.u32 s1, $0x5;
	s2 =	sadd.s32 s4, s2;
	s4 =	sor.u32 $0x8000, s29  }
0x16: {  	s30 =	sor.u32 $0x400, s3;
	s1 =	sadd.s32 s1, s2;
	s0 =	sand.u32 $0x3FFFFFE0, s0  }
0x17: {  	[hbm4b:s1+s30] =	stream.strided.scatter [tilespmem:s4], [sflag:$0x2], s0, s31, s30, $0x20;
	[tilespmem:$0x10100] =	vst v63  }
.LBB1_10:
0x18: {  	p0 =	slt.u32 s9, $0x2  }
0x19: {  	p1 =	sgt.s32 @!p0 s17, $0x7  }
0x1a: {  	s0 =	smov.u32 s17;
	s1 =	sshra.s32 @!p0 s17, $0x1F;
	p1 =	por !p1, p0  }
0x1b: {  	s2 =	smov.u32 s16;
	s1 =	sand.u32 @!p0 s1, s17;
	s0 =	simm.s32 @p1 $0x7  }
0x1c: {  	s3 =	sshra.s32 @!p0 s16, $0x1F;
	p1 =	sgt.s32 @!p0 s16, $0xDF;
	s0 =	ssub.s32 @!p0 s0, s1  }
0x1d: {  	s4 =	sshra.s32 @!p0 s15, $0x1F;
	p2 =	por !p1, p0;
	s1 =	sadd.s32 @!p0 $0xFFFFFFF9, s0  }
0x1e: {  	s2 =	simm.s32 @p2 $0xDF;
	p1 =	sgt.s32 @!p0 s1, $0x0;
	s1 =	sand.u32 @!p0 s3, s16  }
0x1f: {  	s0 =	ssub.s32 @!p0 $0x8, s0;
	p2 =	sgt.s32 @!p0 s15, $0x80;
	s1 =	ssub.s32 @!p0 s2, s1  }
0x20: {  	p2 =	por !p2, p0;
	s3 =	smov.u32 s15;
	s2 =	sadd.s32 @!p0 $0xFFFFFF21, s1  }
0x21: {  	s3 =	simm.s32 @p2 $0x80;
	p2 =	sgt.s32 @!p0 s2, $0x0;
	s2 =	sand.u32 @!p0 s4, s15  }
0x22: {  	s0 =	smul.u32 @!p0 $0x60, s0;
	p1 =	por !p1, p0;
	s2 =	ssub.s32 @!p0 s3, s2  }
0x23: {  	s1 =	ssub.s32 @!p0 $0xE0, s1;
	p2 =	por !p2, p0;
	s3 =	sadd.s32 @!p0 $0xFFFFFF80, s2  }
0x24: {  	s0 =	simm.s32 @!p1 $0x0;
	s1 =	simm.s32 @!p2 $0x0;
	p2 =	sgt.s32 @!p0 s3, $0x7F  }
0x25: {  	s2 =	ssub.s32 @!p0 $0x100, s2;
	s0 =	smul.u32 @!p0 s1, s0;
	p1 =	por !p2, p0  }
0x26: {  	s1 =	sadd.s32 $0x80, s11;
	s3 =	smov.u32 s13;
	s2 =	simm.s32 @!p1 $0x0  }
0x27: {  	p1 =	sgt.s32 s1, $0xDF;
	s0 =	smul.u32 @!p0 s2, s0;
	s2 =	sadd.s32 $0x4, s13  }
0x28: {  	s3 =	smov.u32 @p1 s2  }
0x29: {  	s5 =	smov.u32 s14;
	s2 =	sadd.s32 $0x8, s14;
	p2 =	sgt.s32 s3, $0xDF  }
0x2a: {  	s9 =	sadd.s32 $0x1, s9;
	s5 =	smov.u32 @p2 s2  }
0x2b: {  	s17 =	smov.u32 s12;
	s1 =	simm.s32 @p1 $0x0;
	p1 =	sgt.s32 s5, $0x7  }
0x2c: {  	s12 =	smov.u32 s14;
	s5 =	smov.u32 @p1 s7;
	p1 =	sne.s32 s9, $0x72  }
.Ltmp1:
0x2d: {  	s16 =	smov.u32 s10;
	s10 =	smov.u32 s13;
	(pc) =	sbr.rel @!p1 .LBB1_11-.Ltmp1, $4  }
0x2e: {  	s4 =	simm.s32 @!p0 $0x2;
	s15 =	smov.u32 s8;
	s0 =	sand.u32 @!p0 $0x3FFFFFE0, s0  }
0x2f: {  	s8 =	smov.u32 s11;
	s11 =	smov.u32 s1;
	_ =	swait.ge @!p0 [sflag:s4], s0  }
0x30: {  	s0 =	ssub.s32 @!p0 $0x0, s0;
	s3 =	smov.u32 @p2 s22;
	[sflag:s4] =	ssyncset.done @!p0 $0x0  }
0x31: {  	s13 =	smov.u32 s3;
	[sflag:s4] =	ssyncadd.s32 @!p0 s0;
	s14 =	smov.u32 s5  }
.LBB1_1:
0x32: {  	p0 =	sgt.u32 s9, $0x6F;
	s18 =	smov.u32 s14  }
0x33: {  	s0 =	sand.u32 @!p0 $0x1FFFFFF, s11;
	p1 =	sgt.s32 @!p0 s14, $0x7;
	s19 =	sshra.s32 @!p0 s14, $0x1F  }
0x34: {  	s20 =	sshra.s32 @!p0 s13, $0x1F;
	s1 =	smulhi.u32 @!p0 $0x2492493, s0;
	p1 =	por !p1, p0  }
0x35: {  	s19 =	sand.u32 @!p0 s19, s14;
	s20 =	sand.u32 @!p0 s20, s13;
	s18 =	simm.s32 @p1 $0x7  }
0x36: {  	p1 =	sgt.s32 @!p0 s13, $0xDF;
	s1 =	sshrl.u32 @!p0 s1, $0x1;
	s18 =	ssub.s32 @!p0 s18, s19  }
0x37: {  	p1 =	por !p1, p0;
	s19 =	smov.u32 s13;
	s1 =	smul.u32 @!p0 $0xE0, s1  }
0x38: {  	s19 =	simm.s32 @p1 $0xDF;
	p1 =	sgt.s32 @!p0 s11, $0x60;
	s18 =	sadd.s32 @!p0 $0xFFFFFFF9, s18  }
0x39: {  	s19 =	ssub.s32 @!p0 s19, s20;
	p1 =	por !p1, p0;
	s20 =	smov.u32 s11  }
0x3a: {  	p2 =	sgt.s32 @!p0 s18, $0x0;
	s18 =	sshll.u32 @!p0 s18, $0x7;
	s21 =	sadd.s32 @!p0 $0xFFFFFF21, s19  }
0x3b: {  	s20 =	simm.s32 @p1 $0x60;
	p1 =	sgt.s32 @!p0 s21, $0x0;
	s21 =	sshra.s32 @!p0 s11, $0x1F  }
0x3c: {  	s19 =	ssub.s32 @!p0 $0xE0, s19;
	s18 =	ssub.s32 @!p0 $0x80, s18;
	s21 =	sand.u32 @!p0 s21, s11  }
0x3d: {  	p2 =	por !p2, p0;
	p1 =	por !p1, p0;
	s20 =	ssub.s32 @!p0 s20, s21  }
0x3e: {  	s18 =	simm.s32 @!p2 $0x0;
	s19 =	simm.s32 @!p1 $0x0;
	s21 =	sadd.s32 @!p0 $0xFFFFFFA0, s20  }
0x3f: {  	s0 =	ssub.s32 @!p0 s0, s1;
	s18 =	smul.u32 @!p0 s19, s18;
	p1 =	sgt.s32 @!p0 s21, $0x7F  }
0x40: {  	s19 =	ssub.s32 @!p0 $0xE0, s20;
	s20 =	smul.u32 @!p0 $0xC4000, s14;
	p1 =	por !p1, p0  }
0x41: {  	s1 =	smul.u32 @!p0 $0xE00, s13;
	s21 =	sxor.u32 @!p0 $0xFFFFFFFF, s9;
	s19 =	simm.s32 @!p1 $0x0  }
0x42: {  	s21 =	sshll.u32 @!p0 s21, $0xE;
	s18 =	smul.u32 @!p0 s19, s18;
	s19 =	sadd.s32 @!p0 s6, s20  }
0x43: {  	s0 =	sshll.u32 @!p0 s0, $0x4;
	s20 =	sand.u32 @!p0 $0x4000, s21;
	s1 =	sadd.s32 @!p0 s1, s19  }
0x44: {  	s18 =	sand.u32 @!p0 $0x3FFFFF80, s18;
	s0 =	sadd.s32 @!p0 s0, s1;
	s1 =	simm.s32 @!p0 $0x0  }
0x45: {  	[tilespmem:s20], [sflag:$0x1] =	stream.linear.gather @!p0 [hbm4b:s0+s1], s18, $0x38;
	[tilespmem:$0x10100] =	vst v63  }
0x46: {  	p0 =	seq.s32 s9, $0x0  }
0x47: {  	p1 =	seq.s32 @!p0 s9, $0x71  }
0x48: {  	p0 =	por p0, p1  }
.Ltmp2:
0x49: {  	_ = 	snop;
	(pc) =	sbr.rel @p0 .LBB1_10-.Ltmp2, $1  }
0x4a: {  	_ =	sdelay $0x3  }
0x4b: {  	p0 =	sgt.s32 s12, $0x7;
	s0 =	smov.u32 s12;
	s1 =	sshra.s32 s12, $0x1F  }
0x4c: {  	s18 =	sshra.s32 s10, $0x1F;
	s26 =	ssub.s32 $0x0, s8;
	s27 =	sshra.s32 s8, $0x1F  }
0x4d: {  	p1 =	sgt.s32 s8, $0x60;
	s20 =	smov.u32 s8;
	s0 =	simm.s32 @!p0 $0x7  }
0x4e: {  	s1 =	sand.u32 s1, s12;
	p0 =	sgt.s32 s10, $0xDF;
	s18 =	sand.u32 s18, s10  }
0x4f: {  	s20 =	simm.s32 @!p1 $0x60;
	s0 =	ssub.s32 s0, s1;
	s1 =	smov.u32 s10  }
0x50: {  	s19 =	sadd.s32 $0xFFFFFFF9, s0;
	s1 =	simm.s32 @!p0 $0xDF;
	s0 =	ssub.s32 $0x8, s0  }
0x51: {  	p0 =	sgt.s32 s19, $0x0;
	s1 =	ssub.s32 s1, s18;
	s19 =	sand.u32 s26, s27  }
0x52: {  	s21 =	sadd.s32 $0xFFFFFF21, s1;
	s1 =	ssub.s32 $0xE0, s1;
	s18 =	sadd.s32 s19, s20  }
0x53: {  	s0 =	simm.s32 @p0 $0x0;
	p1 =	sgt.s32 s21, $0x0;
	s20 =	sadd.s32 $0xFFFFFFA0, s18  }
0x54: {  	s1 =	simm.s32 @p1 $0x0;
	s28 =	sshll.u32 s20, $0x7;
	p0 =	sgt.s32 s20, $0x7F  }
0x55: {  	s18 =	smul.u32 s0, s1;
	s0 =	ssub.s32 $0x4000, s28;
	s1 =	sadd.s32 $0x1, s12  }
0x56: {  	s20 =	sadd.s32 $0x1, s10;
	s0 =	simm.s32 @p0 $0x0;
	p0 =	slt.s32 s1, $0x8  }
0x57: {  	s1 =	simm.s32 @!p0 $0x8;
	p0 =	slt.s32 s20, $0xE0  }
0x58: {  	s21 =	ssub.s32 s1, s12;
	s20 =	simm.s32 @!p0 $0xE0;
	s1 =	sadd.s32 $0x80, s8  }
0x59: {  	s22 =	ssub.s32 s20, s10;
	p1 =	slt.s32 s1, $0xE0;
	p0 =	slt.s32 s21, $0x1  }
0x5a: {  	s1 =	simm.s32 @!p1 $0xE0;
	p1 =	slt.s32 @!p0 s22, $0x1  }
0x5b: {  	s23 =	ssub.s32 s1, s8;
	p1 =	por p0, p1  }
0x5c: {  	p2 =	slt.s32 @!p1 s23, $0x1  }
0x5d: {  	s0 =	smul.u32 s18, s0;
	p1 =	por p1, p2  }
.Ltmp3:
0x5e: {  	_ = 	snop;
	(pc) =	sbr.rel @p1 .LBB1_9-.Ltmp3, $4  }
0x5f: {  	s2 =	simm.s32 $0x1;
	s29 =	sand.u32 $0x3FFFFF80, s0;
	s0 =	sand.u32 $0x1, s9  }
0x60: {  	_ =	swait.ge [sflag:s2], s29;
	s31 =	smul.u32 $0x4080, s0  }
0x61: {  	s30 =	ssub.s32 $0x0, s29;
	[sflag:s2] =	ssyncset.done $0x0  }
0x62: {  	[sflag:s2] =	ssyncadd.s32 s30;
	[dreg:$0x6] =	wrdreg s31  }
0x63: {  	s24 =	sshll.u32 @!p0 s0, $0xE;
	s0 =	rddreg [dreg:$0x6]  }
0x64: {  	s26 =	simm.s32 $0x0;
	s25 =	sor.u32 @!p0 $0x8000, s0  }
.LBB1_4:
0x65: {  	s27 =	simm.s32 $0x0  }
.LBB1_5:
0x66: {  	s0 =	sadd.s32 s26, s27  }
0x67: {  	s1 =	sshll.u32 s0, $0x10  }
0x68: {  	s1 =	sshra.s32 s1, $0x2  }
0x69: {  	s1 =	sadd.s32 s1, s24  }
0x6a: {  	s29 =	simm.s32 $0x0;
	s7 =	simm.s32 $0x0;
	s0 =	smul.u32 $0x10200, s0;
	v0 =	vmov s1  }
0x6b: {  	s31 =	simm.s32 $0x10;
	s4 =	simm.s32 $0x30;
	s3 =	simm.s32 $0x50  }
0x6c: {  	s31 =	sand.u32 $0x78, s31;
	s4 =	sand.u32 $0x78, s4;
	s0 =	sshra.s32 s0, $0x2  }
0x6d: {  	s31 =	smul.u32 $0x204, s31;
	s28 =	sadd.s32 s0, s25;
	s0 =	sand.u32 $0x78, s7  }
0x6e: {  	s4 =	smul.u32 $0x204, s4;
	s1 =	sand.u32 $0x3F80, s29;
	s2 =	sxor.u32 $0x40, s0  }
0x6f: {  	s30 =	simm.s32 $0x1;
	s3 =	sand.u32 $0x78, s3;
	s2 =	smul.u32 $0x204, s2;
	v1 =	vld.idx.msk [tilespmem:v0+s1+$0x40 ss:$0x1], $0xffff  }
0x70: {  	p0 =	sne.s32 s23, $0x1;
	s5 =	sand.u32 $0x7F, s29;
	s3 =	smul.u32 $0x204, s3  }
0x71: {  	s7 =	simm.s32 $0x20;
	s0 =	smul.u32 $0x204, s0;
	s2 =	sshrl.u32 s2, $0x2;
	v2 =	vld.idx.msk [tilespmem:v0+s1+$0x0 ss:$0x1], $0xffff  }
0x72: {  	s31 =	sshrl.u32 s31, $0x2;
	s7 =	sand.u32 $0x78, s7;
	v3 =	vld.idx.msk [tilespmem:v0+s1+$0x10 ss:$0x1], $0xffff;
	s2 =	sadd.s32 s2, s28  }
0x73: {  	s7 =	smul.u32 $0x204, s7;
	s0 =	sshrl.u32 s0, $0x2;
	v4 =	vld.idx.msk [tilespmem:v0+s1+$0x20 ss:$0x1], $0xffff;
	s2 =	sadd.s32 s5, s2  }
.Ltmp4:
0x74: {  	s4 =	sshrl.u32 s4, $0x2;
	s0 =	sadd.s32 s0, s28;
	[tilespmem:s2+$0x0 ss:$0x81] =	vst.msk $0xffff, v1;
	v1 =	vld.idx.msk [tilespmem:v0+s1+$0x30 ss:$0x1], $0xffff;
	(pc) =	sbr.rel @!p0 .LBB1_7-.Ltmp4, $4  }
0x75: {  	s20 =	sadd.s32 s31, s28;
	s7 =	sshrl.u32 s7, $0x2;
	s0 =	sadd.s32 s5, s0  }
0x76: {  	s3 =	sshrl.u32 s3, $0x2;
	s7 =	sadd.s32 s7, s28;
	[tilespmem:s0+$0x0 ss:$0x81] =	vst.msk $0xffff, v2;
	s2 =	sadd.s32 s5, s20;
	v2 =	vld.idx.msk [tilespmem:v0+s1+$0x50 ss:$0x1], $0xffff  }
0x77: {  	s6 =	sadd.s32 s4, s28;
	s20 =	sadd.s32 s5, s7;
	[tilespmem:s2+$0x0 ss:$0x81] =	vst.msk $0xffff, v3;
	s2 =	sadd.s32 s3, s28  }
0x78: {  	s31 =	simm.s32 $0x2808;
	s1 =	sadd.s32 s5, s6;
	[tilespmem:s20+$0x0 ss:$0x81] =	vst.msk $0xffff, v4;
	s0 =	sadd.s32 s5, s2  }
.LBB1_6:
0x79: {  	s2 =	sadd.s32 $0xFFFFD800, s31;
	s3 =	sadd.s32 $0xFFFFE000, s31;
	[tilespmem:s1+$0x0 ss:$0x81] =	vst.msk $0xffff, v1;
	s1 =	smov.u32 s30  }
0x7a: {  	s30 =	sadd.s32 $0x1, s30;
	s29 =	sadd.s32 $0x80, s29;
	s4 =	sadd.s32 $0xFFFFE800, s31  }
0x7b: {  	s5 =	sadd.s32 $0xFFFFF000, s31;
	s2 =	sshrl.u32 s2, $0x7;
	p0 =	sne.s32 s23, s30;
	[tilespmem:s0+$0x0 ss:$0x81] =	vst.msk $0xffff, v2  }
0x7c: {  	s6 =	sshrl.u32 s31, $0x7;
	s0 =	sand.u32 $0x3F80, s29;
	s2 =	sand.u32 $0x78, s2  }
0x7d: {  	s3 =	sshrl.u32 s3, $0x7;
	s4 =	sshrl.u32 s4, $0x7;
	v3 =	vld.idx.msk [tilespmem:v0+s0+$0x40 ss:$0x1], $0xffff;
	s7 =	sxor.u32 $0x40, s2  }
0x7e: {  	s5 =	sshrl.u32 s5, $0x7;
	s6 =	sand.u32 $0x78, s6;
	v4 =	vld.idx.msk [tilespmem:v0+s0+$0x0 ss:$0x1], $0xffff;
	s7 =	smul.u32 $0x204, s7  }
0x7f: {  	s20 =	sand.u32 $0x7F, s1;
	s3 =	sand.u32 $0x78, s3;
	s4 =	sand.u32 $0x78, s4;
	v5 =	vld.idx.msk [tilespmem:v0+s0+$0x10 ss:$0x1], $0xffff  }
0x80: {  	s5 =	sand.u32 $0x78, s5;
	s1 =	smul.u32 $0x204, s2;
	v6 =	vld.idx.msk [tilespmem:v0+s0+$0x20 ss:$0x1], $0xffff;
	s7 =	sshrl.u32 s7, $0x2  }
0x81: {  	s3 =	smul.u32 $0x204, s3;
	v1 =	vld.idx.msk [tilespmem:v0+s0+$0x30 ss:$0x1], $0xffff;
	s2 =	sadd.s32 s7, s28  }
0x82: {  	s2 =	sadd.s32 s20, s2;
	v2 =	vld.idx.msk [tilespmem:v0+s0+$0x50 ss:$0x1], $0xffff;
	s0 =	sshrl.u32 s1, $0x2;
	s1 =	smul.u32 $0x204, s4  }
0x83: {  	s4 =	smul.u32 $0x204, s6;
	[tilespmem:s2+$0x0 ss:$0x81] =	vst.msk $0xffff, v3  }
0x84: {  	s0 =	sadd.s32 s0, s28;
	s2 =	sshrl.u32 s3, $0x2;
	s3 =	smul.u32 $0x204, s5  }
.Ltmp5:
0x85: {  	s2 =	sadd.s32 s2, s28;
	s1 =	sshrl.u32 s1, $0x2;
	(pc) =	sbr.rel @p0 .LBB1_6-.Ltmp5, $4  }
0x86: {  	s0 =	sadd.s32 s20, s0;
	s1 =	sadd.s32 s1, s28;
	s3 =	sshrl.u32 s3, $0x2  }
0x87: {  	[tilespmem:s0+$0x0 ss:$0x81] =	vst.msk $0xffff, v4;
	s0 =	sadd.s32 s20, s2;
	s2 =	sadd.s32 s3, s28;
	s3 =	sshrl.u32 s4, $0x2  }
0x88: {  	[tilespmem:s0+$0x0 ss:$0x81] =	vst.msk $0xffff, v5;
	s0 =	sadd.s32 s20, s1;
	s1 =	sadd.s32 s20, s2;
	s2 =	sadd.s32 s3, s28  }
0x89: {  	s31 =	sadd.s32 $0x8, s31;
	[tilespmem:s0+$0x0 ss:$0x81] =	vst.msk $0xffff, v6;
	s0 =	sadd.s32 s20, s2  }
.LBB1_7:
0x8a: {  	s27 =	sadd.s32 $0x1, s27  }
0x8b: {  	p0 =	sne.s32 s27, s22  }
.Ltmp6:
0x8c: {  	_ = 	snop;
	(pc) =	sbr.rel @p0 .LBB1_5-.Ltmp6, $3  }
0x8d: {  	_ =	sdelay $0x1  }
0x8e: {  	[tilespmem:s1+$0x0 ss:$0x81] =	vst.msk $0xffff, v1  }
0x8f: {  	[tilespmem:s0+$0x0 ss:$0x81] =	vst.msk $0xffff, v2  }
0x90: {  	s26 =	sadd.s32 $0x1, s26  }
0x91: {  	p0 =	sne.s32 s26, s21  }
.Ltmp7:
0x92: {  	_ = 	snop;
	(pc) =	sbr.rel @p0 .LBB1_4-.Ltmp7, $4  }
.Ltmp8:
0x93: {  	_ = 	snop;
	(pc) =	sbr.rel @!p0 .LBB1_9-.Ltmp8, $4  }
0x94: {  	_ = 	snop  }
0x95: {  	_ = 	snop  }
0x96: {  	_ = 	snop  }
0x97: {  	_ = 	snop  }
.LBB1_11:
0x98: {  	_ =	sfence.sel $0x180000  }
0x99: {  	s0 =	simm.s32 $0x1;
	[bflag:$0x0] =	sbarrier.arrive $0xFFFF  }
0x9a: {  	s30 =	simm.s32 $0x2;
	[sflag:s0] =	ssyncpa.u1 $0x1  }
0x9b: {  	[sflag:s30] =	ssyncpa.u1 $0x1  }
0x9c: {  	_ =	strace $0x9000004A  }
0x9d: {  	s31 =	stileid.u32;
	[bflag:$0x2] =	sbarrier.arrive $0xFFFF  }
0x9e: {  	p0 =	sne.s32 s31, $0x0;
	s0 =	rddreg [dreg:$0x2]  }
0x9f: {  	s0 =	sadd.s32 @!p0 $0x100000, s0  }
0xa0: {  	[sflag:s0] =	ssyncadd.tile.s32 @!p0 $0x1;
	_ =	shalt  }
.Lfunc_end1:
_tile_overlayer_lowered:
.L_overlay_start_2:
0xa1: {  	(tag) =	ssettag $0x2  }
0xa2: {  	s0 =	rddreg [dreg:$0x0];
	s2 =	stileid.u32  }
0xa3: {  	s1 =	rddreg [dreg:$0x1];
	p0 =	sne.s32 s2, $0x0  }
0xa4: {  	s3 =	rddreg [dreg:$0x2];
	[bflag:$0x3] =	sbarrier.arrive $0xFFFF;
	s2 =	simm.s32 @!p0 $0x1C01  }
0xa5: {  	[timem:s3], [sflag:s2] =	dma.local @!p0 [hbm:s0], s1  }
0xa6: {  	s0 =	simm.s32 @!p0 $0x1  }
0xa7: {  	_ =	swait.ge @!p0 [sflag:s0], s1  }
0xa8: {  	s1 =	ssub.s32 @!p0 $0x0, s1;
	[sflag:s0] =	ssyncset.done @!p0 $0x0  }
0xa9: {  	[sflag:s0] =	ssyncadd.s32 @!p0 s1  }
0xaa: {  	[bflag:$0x3] =	sbarrier.arrive $0xFFFF  }
0xab: {  	_ =	shalt  }

</sc_bundles>
